<compile_context>
chip_gen: v7x
topology: tpu7x:2x2x1
jax: 0.10.2.dev20260603
libtpu: 0.0.44.dev20260713+nightly
codegen_flags: <defaults>
</compile_context>

<pallas_src>
import jax
import jax.numpy as jnp
from jax import lax
from jax.experimental import pallas as pl
from jax.experimental.pallas import tpu as pltpu
from jax.experimental.pallas import tpu_sc as plsc

D_MODEL = 1024
NC, NS = 2, 16
NW = NC * NS
B_TOTAL = 4 * 8192
B_PER_W = B_TOTAL // NW
CH = 8
NCH = B_PER_W // CH
NB = 8


def _gather_body(idx_hbm, table_hbm, out_hbm, idx_v, *rest):
    wid = lax.axis_index("s") * NC + lax.axis_index("c")
    pltpu.sync_copy(idx_hbm.at[wid], idx_v)
    rows = rest[:NB]
    gsems = rest[NB:2 * NB]
    osems = rest[2 * NB:]

    def gather_start(c, b):
        pltpu.async_copy(table_hbm.at[idx_v.at[c]], rows[b], gsems[b])

    def gather_wait(c, b):
        pltpu.make_async_copy(table_hbm.at[idx_v.at[c]], rows[b], gsems[b]).wait()

    def out_start(c, b):
        pltpu.async_copy(rows[b], out_hbm.at[wid, c], osems[b])

    def out_wait(c, b):
        pltpu.make_async_copy(rows[b], out_hbm.at[wid, c], osems[b]).wait()

    for b in range(NB):
        gather_start(b, b)

    def step(i, carry):
        j = i * NB
        for b in range(NB):
            gather_wait(j + b, b)
            out_start(j + b, b)
        for b in range(NB):
            out_wait(j + b, b)
            gather_start(j + b + NB, b)
        return carry

    lax.fori_loop(0, NCH // NB - 1, step, 0)

    j = NCH - NB
    for b in range(NB):
        gather_wait(j + b, b)
        out_start(j + b, b)
    for b in range(NB):
        out_wait(j + b, b)


def kernel(position_ids, pe):
    idx = position_ids.reshape(NW, NCH, CH).astype(jnp.int32)
    mesh = plsc.VectorSubcoreMesh(core_axis_name="c", subcore_axis_name="s")
    out = pl.kernel(
        _gather_body,
        out_type=jax.ShapeDtypeStruct((NW, NCH, CH, D_MODEL), jnp.float32),
        mesh=mesh,
        scratch_types=(
            [pltpu.VMEM((NCH, CH), jnp.int32)]
            + [pltpu.VMEM((CH, D_MODEL), jnp.float32)] * NB
            + [pltpu.SemaphoreType.DMA] * (2 * NB)
        ),
    )(idx, pe)
    return out.reshape(position_ids.shape[0], position_ids.shape[1], D_MODEL)

# --- scband reference (transcript-rebuilt; emitter-appended) ---
"""Pipeline reference for scband-sinusoidal-embedding-39273180954892 (READ-ONLY COPY).

The authoritative reference and input builder live on the scoring server;
editing this copy changes nothing except your own understanding.
"""

import jax, jax.numpy as jnp
import numpy as np
import math

MAX_SEQ_LEN = 8192
D_MODEL = 1024

def _build_pe():
    pe = np.zeros((MAX_SEQ_LEN, D_MODEL), dtype=np.float32)
    pos = np.arange(0, MAX_SEQ_LEN, dtype=np.float32)[:, None]
    div = np.exp(np.arange(0, D_MODEL, 2, dtype=np.float32) * (-math.log(10000.0) / D_MODEL))
    pe[:, 0::2] = np.sin(pos * div)
    pe[:, 1::2] = np.cos(pos * div)
    return jnp.asarray(pe)

def setup_inputs(seed: int = 0) -> dict:
    key = jax.random.key(seed)
    position_ids = jax.random.randint(key, (4, 8192), 0, MAX_SEQ_LEN, dtype=jnp.int64 if jax.config.jax_enable_x64 else jnp.int32)
    pe = _build_pe()
    return {"position_ids": position_ids, "pe": pe}

def reference(position_ids, pe):
    # gather rows of the sinusoidal table: pe[position_ids]
    return jnp.take(pe, position_ids, axis=0)

if __name__ == "__main__":
    import jax
    _d = setup_inputs()
    print(jax.jit(kernel)(*tuple(_d.values())))

</pallas_src>

<mosaic_0001>
#map = affine_map<(d0, d1) -> (0, 0, 0)>
#map1 = affine_map<(d0, d1) -> (0, 0)>
#map2 = affine_map<(d0, d1) -> (0, 0, 0, 0)>
module attributes {stable_mosaic.version = 14 : i64} {
  func.func @_gather_body(%arg0: i32, %arg1: i32, %arg2: memref<32x128x8xi32, #tpu.memory_space<hbm>>, %arg3: memref<8192x1024xf32, #tpu.memory_space<hbm>>, %arg4: memref<32x128x8x1024xf32, #tpu.memory_space<hbm>>, %arg5: memref<128x8xi32, #tpu.memory_space<vmem>>, %arg6: memref<8x1024xf32, #tpu.memory_space<vmem>>, %arg7: memref<8x1024xf32, #tpu.memory_space<vmem>>, %arg8: memref<8x1024xf32, #tpu.memory_space<vmem>>, %arg9: memref<8x1024xf32, #tpu.memory_space<vmem>>, %arg10: memref<8x1024xf32, #tpu.memory_space<vmem>>, %arg11: memref<8x1024xf32, #tpu.memory_space<vmem>>, %arg12: memref<8x1024xf32, #tpu.memory_space<vmem>>, %arg13: memref<8x1024xf32, #tpu.memory_space<vmem>>, %arg14: memref<!tpu.dma_semaphore, #tpu.memory_space<semaphore_mem>>, %arg15: memref<!tpu.dma_semaphore, #tpu.memory_space<semaphore_mem>>, %arg16: memref<!tpu.dma_semaphore, #tpu.memory_space<semaphore_mem>>, %arg17: memref<!tpu.dma_semaphore, #tpu.memory_space<semaphore_mem>>, %arg18: memref<!tpu.dma_semaphore, #tpu.memory_space<semaphore_mem>>, %arg19: memref<!tpu.dma_semaphore, #tpu.memory_space<semaphore_mem>>, %arg20: memref<!tpu.dma_semaphore, #tpu.memory_space<semaphore_mem>>, %arg21: memref<!tpu.dma_semaphore, #tpu.memory_space<semaphore_mem>>, %arg22: memref<!tpu.dma_semaphore, #tpu.memory_space<semaphore_mem>>, %arg23: memref<!tpu.dma_semaphore, #tpu.memory_space<semaphore_mem>>, %arg24: memref<!tpu.dma_semaphore, #tpu.memory_space<semaphore_mem>>, %arg25: memref<!tpu.dma_semaphore, #tpu.memory_space<semaphore_mem>>, %arg26: memref<!tpu.dma_semaphore, #tpu.memory_space<semaphore_mem>>, %arg27: memref<!tpu.dma_semaphore, #tpu.memory_space<semaphore_mem>>, %arg28: memref<!tpu.dma_semaphore, #tpu.memory_space<semaphore_mem>>, %arg29: memref<!tpu.dma_semaphore, #tpu.memory_space<semaphore_mem>>) attributes {dimension_semantics = [#tpu.dimension_semantics<core_parallel>, #tpu.dimension_semantics<subcore_parallel>], iteration_bounds = array<i64: 2, 16>, scalar_prefetch = 0 : i64, scratch_operands = 25 : i64, tpu.core_type = #tpu.core_type<sc_vector_subcore>, window_params = [{transform_indices = #map}, {transform_indices = #map1}, {transform_indices = #map2}]} {
    %mul3A = arith.constant 2 : i32
    %mul3A_0 = arith.muli %arg1, %mul3A : i32
    %add3A = arith.addi %mul3A_0, %arg0 : i32
    "tpu.region"() ({
      %run_scoped3A = tpu.sem_alloc : memref<!tpu.dma_semaphore, #tpu.memory_space<semaphore_mem>>
      %dma_start3A_260 = arith.constant 0 : i32
      %dma_start3A_261 = arith.constant 0 : i32
      %dma_start3A_262 = tpu.memref_slice %arg2[%add3A, %dma_start3A_260, %dma_start3A_261] : memref<32x128x8xi32, #tpu.memory_space<hbm>> -> memref<1x128x8xi32, #tpu.memory_space<hbm>>
      %dma_start3A_263 = tpu.memref_squeeze %dma_start3A_262 : memref<1x128x8xi32, #tpu.memory_space<hbm>> -> memref<128x8xi32, #tpu.memory_space<hbm>>
      %dma_start3A_264 = arith.constant 0 : i32
      %dma_start3A_265 = arith.constant 0 : i32
      %dma_start3A_266 = tpu.memref_slice %arg2[%add3A, %dma_start3A_264, %dma_start3A_265] : memref<32x128x8xi32, #tpu.memory_space<hbm>> -> memref<1x128x8xi32, #tpu.memory_space<hbm>>
      %dma_start3A_267 = tpu.memref_squeeze %dma_start3A_266 : memref<1x128x8xi32, #tpu.memory_space<hbm>> -> memref<128x8xi32, #tpu.memory_space<hbm>>
      tpu.enqueue_dma source(%dma_start3A_267 : memref<128x8xi32, #tpu.memory_space<hbm>>) target(%arg5 : memref<128x8xi32, #tpu.memory_space<vmem>>) target_semaphore(%run_scoped3A : memref<!tpu.dma_semaphore, #tpu.memory_space<semaphore_mem>>)
      %dma_wait3A_268 = arith.constant 0 : i32
      %dma_wait3A_269 = arith.constant 0 : i32
      %dma_wait3A_270 = tpu.memref_slice %arg2[%add3A, %dma_wait3A_268, %dma_wait3A_269] : memref<32x128x8xi32, #tpu.memory_space<hbm>> -> memref<1x128x8xi32, #tpu.memory_space<hbm>>
      %dma_wait3A_271 = tpu.memref_squeeze %dma_wait3A_270 : memref<1x128x8xi32, #tpu.memory_space<hbm>> -> memref<128x8xi32, #tpu.memory_space<hbm>>
      %dma_wait3A_272 = arith.constant 0 : i32
      %dma_wait3A_273 = arith.constant 0 : i32
      %dma_wait3A_274 = tpu.memref_slice %arg2[%add3A, %dma_wait3A_272, %dma_wait3A_273] : memref<32x128x8xi32, #tpu.memory_space<hbm>> -> memref<1x128x8xi32, #tpu.memory_space<hbm>>
      %dma_wait3A_275 = tpu.memref_squeeze %dma_wait3A_274 : memref<1x128x8xi32, #tpu.memory_space<hbm>> -> memref<128x8xi32, #tpu.memory_space<hbm>>
      tpu.wait_dma2 semaphore(%run_scoped3A : memref<!tpu.dma_semaphore, #tpu.memory_space<semaphore_mem>>) src(%dma_wait3A_275 : memref<128x8xi32, #tpu.memory_space<hbm>>) dst(%arg5 : memref<128x8xi32, #tpu.memory_space<vmem>>)
      tpu.yield
    }) : () -> ()
    %dma_start3A = arith.constant 0 : i32
    %dma_start3A_1 = arith.constant 0 : i32
    %dma_start3A_2 = tpu.memref_slice %arg5[%dma_start3A, %dma_start3A_1] : memref<128x8xi32, #tpu.memory_space<vmem>> -> memref<1x8xi32, #tpu.memory_space<vmem>>
    %dma_start3A_3 = tpu.memref_squeeze %dma_start3A_2 : memref<1x8xi32, #tpu.memory_space<vmem>> -> memref<8xi32, #tpu.memory_space<vmem>>
    %dma_start3A_4 = arith.constant 0 : i32
    %dma_start3A_5 = arith.constant 0 : i32
    %dma_start3A_6 = tpu.memref_slice %arg3[%dma_start3A_4, %dma_start3A_5] : memref<8192x1024xf32, #tpu.memory_space<hbm>> -> memref<8192x1024xf32, #tpu.memory_space<hbm>>
    tpu.enqueue_indirect_dma source(%dma_start3A_6 : memref<8192x1024xf32, #tpu.memory_space<hbm>>) target(%arg6 : memref<8x1024xf32, #tpu.memory_space<vmem>>) offsets(%dma_start3A_3 : memref<8xi32, #tpu.memory_space<vmem>>) semaphore(%arg14 : memref<!tpu.dma_semaphore, #tpu.memory_space<semaphore_mem>>)
    %dma_start3A_7 = arith.constant 1 : i32
    %dma_start3A_8 = arith.constant 0 : i32
    %dma_start3A_9 = tpu.memref_slice %arg5[%dma_start3A_7, %dma_start3A_8] : memref<128x8xi32, #tpu.memory_space<vmem>> -> memref<1x8xi32, #tpu.memory_space<vmem>>
    %dma_start3A_10 = tpu.memref_squeeze %dma_start3A_9 : memref<1x8xi32, #tpu.memory_space<vmem>> -> memref<8xi32, #tpu.memory_space<vmem>>
    %dma_start3A_11 = arith.constant 0 : i32
    %dma_start3A_12 = arith.constant 0 : i32
    %dma_start3A_13 = tpu.memref_slice %arg3[%dma_start3A_11, %dma_start3A_12] : memref<8192x1024xf32, #tpu.memory_space<hbm>> -> memref<8192x1024xf32, #tpu.memory_space<hbm>>
    tpu.enqueue_indirect_dma source(%dma_start3A_13 : memref<8192x1024xf32, #tpu.memory_space<hbm>>) target(%arg7 : memref<8x1024xf32, #tpu.memory_space<vmem>>) offsets(%dma_start3A_10 : memref<8xi32, #tpu.memory_space<vmem>>) semaphore(%arg15 : memref<!tpu.dma_semaphore, #tpu.memory_space<semaphore_mem>>)
    %dma_start3A_14 = arith.constant 2 : i32
    %dma_start3A_15 = arith.constant 0 : i32
    %dma_start3A_16 = tpu.memref_slice %arg5[%dma_start3A_14, %dma_start3A_15] : memref<128x8xi32, #tpu.memory_space<vmem>> -> memref<1x8xi32, #tpu.memory_space<vmem>>
    %dma_start3A_17 = tpu.memref_squeeze %dma_start3A_16 : memref<1x8xi32, #tpu.memory_space<vmem>> -> memref<8xi32, #tpu.memory_space<vmem>>
    %dma_start3A_18 = arith.constant 0 : i32
    %dma_start3A_19 = arith.constant 0 : i32
    %dma_start3A_20 = tpu.memref_slice %arg3[%dma_start3A_18, %dma_start3A_19] : memref<8192x1024xf32, #tpu.memory_space<hbm>> -> memref<8192x1024xf32, #tpu.memory_space<hbm>>
    tpu.enqueue_indirect_dma source(%dma_start3A_20 : memref<8192x1024xf32, #tpu.memory_space<hbm>>) target(%arg8 : memref<8x1024xf32, #tpu.memory_space<vmem>>) offsets(%dma_start3A_17 : memref<8xi32, #tpu.memory_space<vmem>>) semaphore(%arg16 : memref<!tpu.dma_semaphore, #tpu.memory_space<semaphore_mem>>)
    %dma_start3A_21 = arith.constant 3 : i32
    %dma_start3A_22 = arith.constant 0 : i32
    %dma_start3A_23 = tpu.memref_slice %arg5[%dma_start3A_21, %dma_start3A_22] : memref<128x8xi32, #tpu.memory_space<vmem>> -> memref<1x8xi32, #tpu.memory_space<vmem>>
    %dma_start3A_24 = tpu.memref_squeeze %dma_start3A_23 : memref<1x8xi32, #tpu.memory_space<vmem>> -> memref<8xi32, #tpu.memory_space<vmem>>
    %dma_start3A_25 = arith.constant 0 : i32
    %dma_start3A_26 = arith.constant 0 : i32
    %dma_start3A_27 = tpu.memref_slice %arg3[%dma_start3A_25, %dma_start3A_26] : memref<8192x1024xf32, #tpu.memory_space<hbm>> -> memref<8192x1024xf32, #tpu.memory_space<hbm>>
    tpu.enqueue_indirect_dma source(%dma_start3A_27 : memref<8192x1024xf32, #tpu.memory_space<hbm>>) target(%arg9 : memref<8x1024xf32, #tpu.memory_space<vmem>>) offsets(%dma_start3A_24 : memref<8xi32, #tpu.memory_space<vmem>>) semaphore(%arg17 : memref<!tpu.dma_semaphore, #tpu.memory_space<semaphore_mem>>)
    %dma_start3A_28 = arith.constant 4 : i32
    %dma_start3A_29 = arith.constant 0 : i32
    %dma_start3A_30 = tpu.memref_slice %arg5[%dma_start3A_28, %dma_start3A_29] : memref<128x8xi32, #tpu.memory_space<vmem>> -> memref<1x8xi32, #tpu.memory_space<vmem>>
    %dma_start3A_31 = tpu.memref_squeeze %dma_start3A_30 : memref<1x8xi32, #tpu.memory_space<vmem>> -> memref<8xi32, #tpu.memory_space<vmem>>
    %dma_start3A_32 = arith.constant 0 : i32
    %dma_start3A_33 = arith.constant 0 : i32
    %dma_start3A_34 = tpu.memref_slice %arg3[%dma_start3A_32, %dma_start3A_33] : memref<8192x1024xf32, #tpu.memory_space<hbm>> -> memref<8192x1024xf32, #tpu.memory_space<hbm>>
    tpu.enqueue_indirect_dma source(%dma_start3A_34 : memref<8192x1024xf32, #tpu.memory_space<hbm>>) target(%arg10 : memref<8x1024xf32, #tpu.memory_space<vmem>>) offsets(%dma_start3A_31 : memref<8xi32, #tpu.memory_space<vmem>>) semaphore(%arg18 : memref<!tpu.dma_semaphore, #tpu.memory_space<semaphore_mem>>)
    %dma_start3A_35 = arith.constant 5 : i32
    %dma_start3A_36 = arith.constant 0 : i32
    %dma_start3A_37 = tpu.memref_slice %arg5[%dma_start3A_35, %dma_start3A_36] : memref<128x8xi32, #tpu.memory_space<vmem>> -> memref<1x8xi32, #tpu.memory_space<vmem>>
    %dma_start3A_38 = tpu.memref_squeeze %dma_start3A_37 : memref<1x8xi32, #tpu.memory_space<vmem>> -> memref<8xi32, #tpu.memory_space<vmem>>
    %dma_start3A_39 = arith.constant 0 : i32
    %dma_start3A_40 = arith.constant 0 : i32
    %dma_start3A_41 = tpu.memref_slice %arg3[%dma_start3A_39, %dma_start3A_40] : memref<8192x1024xf32, #tpu.memory_space<hbm>> -> memref<8192x1024xf32, #tpu.memory_space<hbm>>
    tpu.enqueue_indirect_dma source(%dma_start3A_41 : memref<8192x1024xf32, #tpu.memory_space<hbm>>) target(%arg11 : memref<8x1024xf32, #tpu.memory_space<vmem>>) offsets(%dma_start3A_38 : memref<8xi32, #tpu.memory_space<vmem>>) semaphore(%arg19 : memref<!tpu.dma_semaphore, #tpu.memory_space<semaphore_mem>>)
    %dma_start3A_42 = arith.constant 6 : i32
    %dma_start3A_43 = arith.constant 0 : i32
    %dma_start3A_44 = tpu.memref_slice %arg5[%dma_start3A_42, %dma_start3A_43] : memref<128x8xi32, #tpu.memory_space<vmem>> -> memref<1x8xi32, #tpu.memory_space<vmem>>
    %dma_start3A_45 = tpu.memref_squeeze %dma_start3A_44 : memref<1x8xi32, #tpu.memory_space<vmem>> -> memref<8xi32, #tpu.memory_space<vmem>>
    %dma_start3A_46 = arith.constant 0 : i32
    %dma_start3A_47 = arith.constant 0 : i32
    %dma_start3A_48 = tpu.memref_slice %arg3[%dma_start3A_46, %dma_start3A_47] : memref<8192x1024xf32, #tpu.memory_space<hbm>> -> memref<8192x1024xf32, #tpu.memory_space<hbm>>
    tpu.enqueue_indirect_dma source(%dma_start3A_48 : memref<8192x1024xf32, #tpu.memory_space<hbm>>) target(%arg12 : memref<8x1024xf32, #tpu.memory_space<vmem>>) offsets(%dma_start3A_45 : memref<8xi32, #tpu.memory_space<vmem>>) semaphore(%arg20 : memref<!tpu.dma_semaphore, #tpu.memory_space<semaphore_mem>>)
    %dma_start3A_49 = arith.constant 7 : i32
    %dma_start3A_50 = arith.constant 0 : i32
    %dma_start3A_51 = tpu.memref_slice %arg5[%dma_start3A_49, %dma_start3A_50] : memref<128x8xi32, #tpu.memory_space<vmem>> -> memref<1x8xi32, #tpu.memory_space<vmem>>
    %dma_start3A_52 = tpu.memref_squeeze %dma_start3A_51 : memref<1x8xi32, #tpu.memory_space<vmem>> -> memref<8xi32, #tpu.memory_space<vmem>>
    %dma_start3A_53 = arith.constant 0 : i32
    %dma_start3A_54 = arith.constant 0 : i32
    %dma_start3A_55 = tpu.memref_slice %arg3[%dma_start3A_53, %dma_start3A_54] : memref<8192x1024xf32, #tpu.memory_space<hbm>> -> memref<8192x1024xf32, #tpu.memory_space<hbm>>
    tpu.enqueue_indirect_dma source(%dma_start3A_55 : memref<8192x1024xf32, #tpu.memory_space<hbm>>) target(%arg13 : memref<8x1024xf32, #tpu.memory_space<vmem>>) offsets(%dma_start3A_52 : memref<8xi32, #tpu.memory_space<vmem>>) semaphore(%arg21 : memref<!tpu.dma_semaphore, #tpu.memory_space<semaphore_mem>>)
    %scan3A = arith.constant 0 : i32
    %scan3A_56 = arith.constant 0 : i32
    %scan3A_57 = arith.constant 15 : i32
    %scan3A_58 = arith.addi %scan3A_56, %scan3A_57 : i32
    %scan3A_59 = arith.constant 1 : i32
    scf.for %scan3A_260 = %scan3A_56 to %scan3A_58 step %scan3A_59  : i32 {
      %mul3A_261 = arith.constant 8 : i32
      %mul3A_262 = arith.muli %scan3A_260, %mul3A_261 : i32
      %add3A_263 = arith.constant 0 : i32
      %add3A_264 = arith.addi %mul3A_262, %add3A_263 : i32
      %dma_wait3A_265 = arith.constant 0 : i32
      %dma_wait3A_266 = tpu.memref_slice %arg5[%add3A_264, %dma_wait3A_265] : memref<128x8xi32, #tpu.memory_space<vmem>> -> memref<1x8xi32, #tpu.memory_space<vmem>>
      %dma_wait3A_267 = tpu.memref_squeeze %dma_wait3A_266 : memref<1x8xi32, #tpu.memory_space<vmem>> -> memref<8xi32, #tpu.memory_space<vmem>>
      %dma_wait3A_268 = arith.constant 0 : i32
      %dma_wait3A_269 = arith.constant 0 : i32
      %dma_wait3A_270 = tpu.memref_slice %arg3[%dma_wait3A_268, %dma_wait3A_269] : memref<8192x1024xf32, #tpu.memory_space<hbm>> -> memref<8192x1024xf32, #tpu.memory_space<hbm>>
      tpu.wait_indirect_dma semaphore(%arg14 : memref<!tpu.dma_semaphore, #tpu.memory_space<semaphore_mem>>) src(%dma_wait3A_270 : memref<8192x1024xf32, #tpu.memory_space<hbm>>) dst(%arg6 : memref<8x1024xf32, #tpu.memory_space<vmem>>)
      %add3A_271 = arith.constant 0 : i32
      %add3A_272 = arith.addi %mul3A_262, %add3A_271 : i32
      %dma_start3A_273 = arith.constant 0 : i32
      %dma_start3A_274 = arith.constant 0 : i32
      %dma_start3A_275 = tpu.memref_slice %arg4[%add3A, %add3A_272, %dma_start3A_273, %dma_start3A_274] : memref<32x128x8x1024xf32, #tpu.memory_space<hbm>> -> memref<1x1x8x1024xf32, #tpu.memory_space<hbm>>
      %dma_start3A_276 = tpu.memref_squeeze %dma_start3A_275 : memref<1x1x8x1024xf32, #tpu.memory_space<hbm>> -> memref<8x1024xf32, #tpu.memory_space<hbm>>
      %dma_start3A_277 = arith.constant 0 : i32
      %dma_start3A_278 = arith.constant 0 : i32
      %dma_start3A_279 = tpu.memref_slice %arg4[%add3A, %add3A_272, %dma_start3A_277, %dma_start3A_278] : memref<32x128x8x1024xf32, #tpu.memory_space<hbm>> -> memref<1x1x8x1024xf32, #tpu.memory_space<hbm>>
      %dma_start3A_280 = tpu.memref_squeeze %dma_start3A_279 : memref<1x1x8x1024xf32, #tpu.memory_space<hbm>> -> memref<8x1024xf32, #tpu.memory_space<hbm>>
      tpu.enqueue_dma source(%arg6 : memref<8x1024xf32, #tpu.memory_space<vmem>>) target(%dma_start3A_280 : memref<8x1024xf32, #tpu.memory_space<hbm>>) target_semaphore(%arg22 : memref<!tpu.dma_semaphore, #tpu.memory_space<semaphore_mem>>)
      %add3A_281 = arith.constant 1 : i32
      %add3A_282 = arith.addi %mul3A_262, %add3A_281 : i32
      %dma_wait3A_283 = arith.constant 0 : i32
      %dma_wait3A_284 = tpu.memref_slice %arg5[%add3A_282, %dma_wait3A_283] : memref<128x8xi32, #tpu.memory_space<vmem>> -> memref<1x8xi32, #tpu.memory_space<vmem>>
      %dma_wait3A_285 = tpu.memref_squeeze %dma_wait3A_284 : memref<1x8xi32, #tpu.memory_space<vmem>> -> memref<8xi32, #tpu.memory_space<vmem>>
      %dma_wait3A_286 = arith.constant 0 : i32
      %dma_wait3A_287 = arith.constant 0 : i32
      %dma_wait3A_288 = tpu.memref_slice %arg3[%dma_wait3A_286, %dma_wait3A_287] : memref<8192x1024xf32, #tpu.memory_space<hbm>> -> memref<8192x1024xf32, #tpu.memory_space<hbm>>
      tpu.wait_indirect_dma semaphore(%arg15 : memref<!tpu.dma_semaphore, #tpu.memory_space<semaphore_mem>>) src(%dma_wait3A_288 : memref<8192x1024xf32, #tpu.memory_space<hbm>>) dst(%arg7 : memref<8x1024xf32, #tpu.memory_space<vmem>>)
      %add3A_289 = arith.constant 1 : i32
      %add3A_290 = arith.addi %mul3A_262, %add3A_289 : i32
      %dma_start3A_291 = arith.constant 0 : i32
      %dma_start3A_292 = arith.constant 0 : i32
      %dma_start3A_293 = tpu.memref_slice %arg4[%add3A, %add3A_290, %dma_start3A_291, %dma_start3A_292] : memref<32x128x8x1024xf32, #tpu.memory_space<hbm>> -> memref<1x1x8x1024xf32, #tpu.memory_space<hbm>>
      %dma_start3A_294 = tpu.memref_squeeze %dma_start3A_293 : memref<1x1x8x1024xf32, #tpu.memory_space<hbm>> -> memref<8x1024xf32, #tpu.memory_space<hbm>>
      %dma_start3A_295 = arith.constant 0 : i32
      %dma_start3A_296 = arith.constant 0 : i32
      %dma_start3A_297 = tpu.memref_slice %arg4[%add3A, %add3A_290, %dma_start3A_295, %dma_start3A_296] : memref<32x128x8x1024xf32, #tpu.memory_space<hbm>> -> memref<1x1x8x1024xf32, #tpu.memory_space<hbm>>
      %dma_start3A_298 = tpu.memref_squeeze %dma_start3A_297 : memref<1x1x8x1024xf32, #tpu.memory_space<hbm>> -> memref<8x1024xf32, #tpu.memory_space<hbm>>
      tpu.enqueue_dma source(%arg7 : memref<8x1024xf32, #tpu.memory_space<vmem>>) target(%dma_start3A_298 : memref<8x1024xf32, #tpu.memory_space<hbm>>) target_semaphore(%arg23 : memref<!tpu.dma_semaphore, #tpu.memory_space<semaphore_mem>>)
      %add3A_299 = arith.constant 2 : i32
      %add3A_300 = arith.addi %mul3A_262, %add3A_299 : i32
      %dma_wait3A_301 = arith.constant 0 : i32
      %dma_wait3A_302 = tpu.memref_slice %arg5[%add3A_300, %dma_wait3A_301] : memref<128x8xi32, #tpu.memory_space<vmem>> -> memref<1x8xi32, #tpu.memory_space<vmem>>
      %dma_wait3A_303 = tpu.memref_squeeze %dma_wait3A_302 : memref<1x8xi32, #tpu.memory_space<vmem>> -> memref<8xi32, #tpu.memory_space<vmem>>
      %dma_wait3A_304 = arith.constant 0 : i32
      %dma_wait3A_305 = arith.constant 0 : i32
      %dma_wait3A_306 = tpu.memref_slice %arg3[%dma_wait3A_304, %dma_wait3A_305] : memref<8192x1024xf32, #tpu.memory_space<hbm>> -> memref<8192x1024xf32, #tpu.memory_space<hbm>>
      tpu.wait_indirect_dma semaphore(%arg16 : memref<!tpu.dma_semaphore, #tpu.memory_space<semaphore_mem>>) src(%dma_wait3A_306 : memref<8192x1024xf32, #tpu.memory_space<hbm>>) dst(%arg8 : memref<8x1024xf32, #tpu.memory_space<vmem>>)
      %add3A_307 = arith.constant 2 : i32
      %add3A_308 = arith.addi %mul3A_262, %add3A_307 : i32
      %dma_start3A_309 = arith.constant 0 : i32
      %dma_start3A_310 = arith.constant 0 : i32
      %dma_start3A_311 = tpu.memref_slice %arg4[%add3A, %add3A_308, %dma_start3A_309, %dma_start3A_310] : memref<32x128x8x1024xf32, #tpu.memory_space<hbm>> -> memref<1x1x8x1024xf32, #tpu.memory_space<hbm>>
      %dma_start3A_312 = tpu.memref_squeeze %dma_start3A_311 : memref<1x1x8x1024xf32, #tpu.memory_space<hbm>> -> memref<8x1024xf32, #tpu.memory_space<hbm>>
      %dma_start3A_313 = arith.constant 0 : i32
      %dma_start3A_314 = arith.constant 0 : i32
      %dma_start3A_315 = tpu.memref_slice %arg4[%add3A, %add3A_308, %dma_start3A_313, %dma_start3A_314] : memref<32x128x8x1024xf32, #tpu.memory_space<hbm>> -> memref<1x1x8x1024xf32, #tpu.memory_space<hbm>>
      %dma_start3A_316 = tpu.memref_squeeze %dma_start3A_315 : memref<1x1x8x1024xf32, #tpu.memory_space<hbm>> -> memref<8x1024xf32, #tpu.memory_space<hbm>>
      tpu.enqueue_dma source(%arg8 : memref<8x1024xf32, #tpu.memory_space<vmem>>) target(%dma_start3A_316 : memref<8x1024xf32, #tpu.memory_space<hbm>>) target_semaphore(%arg24 : memref<!tpu.dma_semaphore, #tpu.memory_space<semaphore_mem>>)
      %add3A_317 = arith.constant 3 : i32
      %add3A_318 = arith.addi %mul3A_262, %add3A_317 : i32
      %dma_wait3A_319 = arith.constant 0 : i32
      %dma_wait3A_320 = tpu.memref_slice %arg5[%add3A_318, %dma_wait3A_319] : memref<128x8xi32, #tpu.memory_space<vmem>> -> memref<1x8xi32, #tpu.memory_space<vmem>>
      %dma_wait3A_321 = tpu.memref_squeeze %dma_wait3A_320 : memref<1x8xi32, #tpu.memory_space<vmem>> -> memref<8xi32, #tpu.memory_space<vmem>>
      %dma_wait3A_322 = arith.constant 0 : i32
      %dma_wait3A_323 = arith.constant 0 : i32
      %dma_wait3A_324 = tpu.memref_slice %arg3[%dma_wait3A_322, %dma_wait3A_323] : memref<8192x1024xf32, #tpu.memory_space<hbm>> -> memref<8192x1024xf32, #tpu.memory_space<hbm>>
      tpu.wait_indirect_dma semaphore(%arg17 : memref<!tpu.dma_semaphore, #tpu.memory_space<semaphore_mem>>) src(%dma_wait3A_324 : memref<8192x1024xf32, #tpu.memory_space<hbm>>) dst(%arg9 : memref<8x1024xf32, #tpu.memory_space<vmem>>)
      %add3A_325 = arith.constant 3 : i32
      %add3A_326 = arith.addi %mul3A_262, %add3A_325 : i32
      %dma_start3A_327 = arith.constant 0 : i32
      %dma_start3A_328 = arith.constant 0 : i32
      %dma_start3A_329 = tpu.memref_slice %arg4[%add3A, %add3A_326, %dma_start3A_327, %dma_start3A_328] : memref<32x128x8x1024xf32, #tpu.memory_space<hbm>> -> memref<1x1x8x1024xf32, #tpu.memory_space<hbm>>
      %dma_start3A_330 = tpu.memref_squeeze %dma_start3A_329 : memref<1x1x8x1024xf32, #tpu.memory_space<hbm>> -> memref<8x1024xf32, #tpu.memory_space<hbm>>
      %dma_start3A_331 = arith.constant 0 : i32
      %dma_start3A_332 = arith.constant 0 : i32
      %dma_start3A_333 = tpu.memref_slice %arg4[%add3A, %add3A_326, %dma_start3A_331, %dma_start3A_332] : memref<32x128x8x1024xf32, #tpu.memory_space<hbm>> -> memref<1x1x8x1024xf32, #tpu.memory_space<hbm>>
      %dma_start3A_334 = tpu.memref_squeeze %dma_start3A_333 : memref<1x1x8x1024xf32, #tpu.memory_space<hbm>> -> memref<8x1024xf32, #tpu.memory_space<hbm>>
      tpu.enqueue_dma source(%arg9 : memref<8x1024xf32, #tpu.memory_space<vmem>>) target(%dma_start3A_334 : memref<8x1024xf32, #tpu.memory_space<hbm>>) target_semaphore(%arg25 : memref<!tpu.dma_semaphore, #tpu.memory_space<semaphore_mem>>)
      %add3A_335 = arith.constant 4 : i32
      %add3A_336 = arith.addi %mul3A_262, %add3A_335 : i32
      %dma_wait3A_337 = arith.constant 0 : i32
      %dma_wait3A_338 = tpu.memref_slice %arg5[%add3A_336, %dma_wait3A_337] : memref<128x8xi32, #tpu.memory_space<vmem>> -> memref<1x8xi32, #tpu.memory_space<vmem>>
      %dma_wait3A_339 = tpu.memref_squeeze %dma_wait3A_338 : memref<1x8xi32, #tpu.memory_space<vmem>> -> memref<8xi32, #tpu.memory_space<vmem>>
      %dma_wait3A_340 = arith.constant 0 : i32
      %dma_wait3A_341 = arith.constant 0 : i32
      %dma_wait3A_342 = tpu.memref_slice %arg3[%dma_wait3A_340, %dma_wait3A_341] : memref<8192x1024xf32, #tpu.memory_space<hbm>> -> memref<8192x1024xf32, #tpu.memory_space<hbm>>
      tpu.wait_indirect_dma semaphore(%arg18 : memref<!tpu.dma_semaphore, #tpu.memory_space<semaphore_mem>>) src(%dma_wait3A_342 : memref<8192x1024xf32, #tpu.memory_space<hbm>>) dst(%arg10 : memref<8x1024xf32, #tpu.memory_space<vmem>>)
      %add3A_343 = arith.constant 4 : i32
      %add3A_344 = arith.addi %mul3A_262, %add3A_343 : i32
      %dma_start3A_345 = arith.constant 0 : i32
      %dma_start3A_346 = arith.constant 0 : i32
      %dma_start3A_347 = tpu.memref_slice %arg4[%add3A, %add3A_344, %dma_start3A_345, %dma_start3A_346] : memref<32x128x8x1024xf32, #tpu.memory_space<hbm>> -> memref<1x1x8x1024xf32, #tpu.memory_space<hbm>>
      %dma_start3A_348 = tpu.memref_squeeze %dma_start3A_347 : memref<1x1x8x1024xf32, #tpu.memory_space<hbm>> -> memref<8x1024xf32, #tpu.memory_space<hbm>>
      %dma_start3A_349 = arith.constant 0 : i32
      %dma_start3A_350 = arith.constant 0 : i32
      %dma_start3A_351 = tpu.memref_slice %arg4[%add3A, %add3A_344, %dma_start3A_349, %dma_start3A_350] : memref<32x128x8x1024xf32, #tpu.memory_space<hbm>> -> memref<1x1x8x1024xf32, #tpu.memory_space<hbm>>
      %dma_start3A_352 = tpu.memref_squeeze %dma_start3A_351 : memref<1x1x8x1024xf32, #tpu.memory_space<hbm>> -> memref<8x1024xf32, #tpu.memory_space<hbm>>
      tpu.enqueue_dma source(%arg10 : memref<8x1024xf32, #tpu.memory_space<vmem>>) target(%dma_start3A_352 : memref<8x1024xf32, #tpu.memory_space<hbm>>) target_semaphore(%arg26 : memref<!tpu.dma_semaphore, #tpu.memory_space<semaphore_mem>>)
      %add3A_353 = arith.constant 5 : i32
      %add3A_354 = arith.addi %mul3A_262, %add3A_353 : i32
      %dma_wait3A_355 = arith.constant 0 : i32
      %dma_wait3A_356 = tpu.memref_slice %arg5[%add3A_354, %dma_wait3A_355] : memref<128x8xi32, #tpu.memory_space<vmem>> -> memref<1x8xi32, #tpu.memory_space<vmem>>
      %dma_wait3A_357 = tpu.memref_squeeze %dma_wait3A_356 : memref<1x8xi32, #tpu.memory_space<vmem>> -> memref<8xi32, #tpu.memory_space<vmem>>
      %dma_wait3A_358 = arith.constant 0 : i32
      %dma_wait3A_359 = arith.constant 0 : i32
      %dma_wait3A_360 = tpu.memref_slice %arg3[%dma_wait3A_358, %dma_wait3A_359] : memref<8192x1024xf32, #tpu.memory_space<hbm>> -> memref<8192x1024xf32, #tpu.memory_space<hbm>>
      tpu.wait_indirect_dma semaphore(%arg19 : memref<!tpu.dma_semaphore, #tpu.memory_space<semaphore_mem>>) src(%dma_wait3A_360 : memref<8192x1024xf32, #tpu.memory_space<hbm>>) dst(%arg11 : memref<8x1024xf32, #tpu.memory_space<vmem>>)
      %add3A_361 = arith.constant 5 : i32
      %add3A_362 = arith.addi %mul3A_262, %add3A_361 : i32
      %dma_start3A_363 = arith.constant 0 : i32
      %dma_start3A_364 = arith.constant 0 : i32
      %dma_start3A_365 = tpu.memref_slice %arg4[%add3A, %add3A_362, %dma_start3A_363, %dma_start3A_364] : memref<32x128x8x1024xf32, #tpu.memory_space<hbm>> -> memref<1x1x8x1024xf32, #tpu.memory_space<hbm>>
      %dma_start3A_366 = tpu.memref_squeeze %dma_start3A_365 : memref<1x1x8x1024xf32, #tpu.memory_space<hbm>> -> memref<8x1024xf32, #tpu.memory_space<hbm>>
      %dma_start3A_367 = arith.constant 0 : i32
      %dma_start3A_368 = arith.constant 0 : i32
      %dma_start3A_369 = tpu.memref_slice %arg4[%add3A, %add3A_362, %dma_start3A_367, %dma_start3A_368] : memref<32x128x8x1024xf32, #tpu.memory_space<hbm>> -> memref<1x1x8x1024xf32, #tpu.memory_space<hbm>>
      %dma_start3A_370 = tpu.memref_squeeze %dma_start3A_369 : memref<1x1x8x1024xf32, #tpu.memory_space<hbm>> -> memref<8x1024xf32, #tpu.memory_space<hbm>>
      tpu.enqueue_dma source(%arg11 : memref<8x1024xf32, #tpu.memory_space<vmem>>) target(%dma_start3A_370 : memref<8x1024xf32, #tpu.memory_space<hbm>>) target_semaphore(%arg27 : memref<!tpu.dma_semaphore, #tpu.memory_space<semaphore_mem>>)
      %add3A_371 = arith.constant 6 : i32
      %add3A_372 = arith.addi %mul3A_262, %add3A_371 : i32
      %dma_wait3A_373 = arith.constant 0 : i32
      %dma_wait3A_374 = tpu.memref_slice %arg5[%add3A_372, %dma_wait3A_373] : memref<128x8xi32, #tpu.memory_space<vmem>> -> memref<1x8xi32, #tpu.memory_space<vmem>>
      %dma_wait3A_375 = tpu.memref_squeeze %dma_wait3A_374 : memref<1x8xi32, #tpu.memory_space<vmem>> -> memref<8xi32, #tpu.memory_space<vmem>>
      %dma_wait3A_376 = arith.constant 0 : i32
      %dma_wait3A_377 = arith.constant 0 : i32
      %dma_wait3A_378 = tpu.memref_slice %arg3[%dma_wait3A_376, %dma_wait3A_377] : memref<8192x1024xf32, #tpu.memory_space<hbm>> -> memref<8192x1024xf32, #tpu.memory_space<hbm>>
      tpu.wait_indirect_dma semaphore(%arg20 : memref<!tpu.dma_semaphore, #tpu.memory_space<semaphore_mem>>) src(%dma_wait3A_378 : memref<8192x1024xf32, #tpu.memory_space<hbm>>) dst(%arg12 : memref<8x1024xf32, #tpu.memory_space<vmem>>)
      %add3A_379 = arith.constant 6 : i32
      %add3A_380 = arith.addi %mul3A_262, %add3A_379 : i32
      %dma_start3A_381 = arith.constant 0 : i32
      %dma_start3A_382 = arith.constant 0 : i32
      %dma_start3A_383 = tpu.memref_slice %arg4[%add3A, %add3A_380, %dma_start3A_381, %dma_start3A_382] : memref<32x128x8x1024xf32, #tpu.memory_space<hbm>> -> memref<1x1x8x1024xf32, #tpu.memory_space<hbm>>
      %dma_start3A_384 = tpu.memref_squeeze %dma_start3A_383 : memref<1x1x8x1024xf32, #tpu.memory_space<hbm>> -> memref<8x1024xf32, #tpu.memory_space<hbm>>
      %dma_start3A_385 = arith.constant 0 : i32
      %dma_start3A_386 = arith.constant 0 : i32
      %dma_start3A_387 = tpu.memref_slice %arg4[%add3A, %add3A_380, %dma_start3A_385, %dma_start3A_386] : memref<32x128x8x1024xf32, #tpu.memory_space<hbm>> -> memref<1x1x8x1024xf32, #tpu.memory_space<hbm>>
      %dma_start3A_388 = tpu.memref_squeeze %dma_start3A_387 : memref<1x1x8x1024xf32, #tpu.memory_space<hbm>> -> memref<8x1024xf32, #tpu.memory_space<hbm>>
      tpu.enqueue_dma source(%arg12 : memref<8x1024xf32, #tpu.memory_space<vmem>>) target(%dma_start3A_388 : memref<8x1024xf32, #tpu.memory_space<hbm>>) target_semaphore(%arg28 : memref<!tpu.dma_semaphore, #tpu.memory_space<semaphore_mem>>)
      %add3A_389 = arith.constant 7 : i32
      %add3A_390 = arith.addi %mul3A_262, %add3A_389 : i32
      %dma_wait3A_391 = arith.constant 0 : i32
      %dma_wait3A_392 = tpu.memref_slice %arg5[%add3A_390, %dma_wait3A_391] : memref<128x8xi32, #tpu.memory_space<vmem>> -> memref<1x8xi32, #tpu.memory_space<vmem>>
      %dma_wait3A_393 = tpu.memref_squeeze %dma_wait3A_392 : memref<1x8xi32, #tpu.memory_space<vmem>> -> memref<8xi32, #tpu.memory_space<vmem>>
      %dma_wait3A_394 = arith.constant 0 : i32
      %dma_wait3A_395 = arith.constant 0 : i32
      %dma_wait3A_396 = tpu.memref_slice %arg3[%dma_wait3A_394, %dma_wait3A_395] : memref<8192x1024xf32, #tpu.memory_space<hbm>> -> memref<8192x1024xf32, #tpu.memory_space<hbm>>
      tpu.wait_indirect_dma semaphore(%arg21 : memref<!tpu.dma_semaphore, #tpu.memory_space<semaphore_mem>>) src(%dma_wait3A_396 : memref<8192x1024xf32, #tpu.memory_space<hbm>>) dst(%arg13 : memref<8x1024xf32, #tpu.memory_space<vmem>>)
      %add3A_397 = arith.constant 7 : i32
      %add3A_398 = arith.addi %mul3A_262, %add3A_397 : i32
      %dma_start3A_399 = arith.constant 0 : i32
      %dma_start3A_400 = arith.constant 0 : i32
      %dma_start3A_401 = tpu.memref_slice %arg4[%add3A, %add3A_398, %dma_start3A_399, %dma_start3A_400] : memref<32x128x8x1024xf32, #tpu.memory_space<hbm>> -> memref<1x1x8x1024xf32, #tpu.memory_space<hbm>>
      %dma_start3A_402 = tpu.memref_squeeze %dma_start3A_401 : memref<1x1x8x1024xf32, #tpu.memory_space<hbm>> -> memref<8x1024xf32, #tpu.memory_space<hbm>>
      %dma_start3A_403 = arith.constant 0 : i32
      %dma_start3A_404 = arith.constant 0 : i32
      %dma_start3A_405 = tpu.memref_slice %arg4[%add3A, %add3A_398, %dma_start3A_403, %dma_start3A_404] : memref<32x128x8x1024xf32, #tpu.memory_space<hbm>> -> memref<1x1x8x1024xf32, #tpu.memory_space<hbm>>
      %dma_start3A_406 = tpu.memref_squeeze %dma_start3A_405 : memref<1x1x8x1024xf32, #tpu.memory_space<hbm>> -> memref<8x1024xf32, #tpu.memory_space<hbm>>
      tpu.enqueue_dma source(%arg13 : memref<8x1024xf32, #tpu.memory_space<vmem>>) target(%dma_start3A_406 : memref<8x1024xf32, #tpu.memory_space<hbm>>) target_semaphore(%arg29 : memref<!tpu.dma_semaphore, #tpu.memory_space<semaphore_mem>>)
      %add3A_407 = arith.constant 0 : i32
      %add3A_408 = arith.addi %mul3A_262, %add3A_407 : i32
      %dma_wait3A_409 = arith.constant 0 : i32
      %dma_wait3A_410 = arith.constant 0 : i32
      %dma_wait3A_411 = tpu.memref_slice %arg4[%add3A, %add3A_408, %dma_wait3A_409, %dma_wait3A_410] : memref<32x128x8x1024xf32, #tpu.memory_space<hbm>> -> memref<1x1x8x1024xf32, #tpu.memory_space<hbm>>
      %dma_wait3A_412 = tpu.memref_squeeze %dma_wait3A_411 : memref<1x1x8x1024xf32, #tpu.memory_space<hbm>> -> memref<8x1024xf32, #tpu.memory_space<hbm>>
      %dma_wait3A_413 = arith.constant 0 : i32
      %dma_wait3A_414 = arith.constant 0 : i32
      %dma_wait3A_415 = tpu.memref_slice %arg4[%add3A, %add3A_408, %dma_wait3A_413, %dma_wait3A_414] : memref<32x128x8x1024xf32, #tpu.memory_space<hbm>> -> memref<1x1x8x1024xf32, #tpu.memory_space<hbm>>
      %dma_wait3A_416 = tpu.memref_squeeze %dma_wait3A_415 : memref<1x1x8x1024xf32, #tpu.memory_space<hbm>> -> memref<8x1024xf32, #tpu.memory_space<hbm>>
      tpu.wait_dma2 semaphore(%arg22 : memref<!tpu.dma_semaphore, #tpu.memory_space<semaphore_mem>>) src(%arg6 : memref<8x1024xf32, #tpu.memory_space<vmem>>) dst(%dma_wait3A_416 : memref<8x1024xf32, #tpu.memory_space<hbm>>)
      %add3A_417 = arith.constant 0 : i32
      %add3A_418 = arith.addi %mul3A_262, %add3A_417 : i32
      %add3A_419 = arith.constant 8 : i32
      %add3A_420 = arith.addi %add3A_418, %add3A_419 : i32
      %dma_start3A_421 = arith.constant 0 : i32
      %dma_start3A_422 = tpu.memref_slice %arg5[%add3A_420, %dma_start3A_421] : memref<128x8xi32, #tpu.memory_space<vmem>> -> memref<1x8xi32, #tpu.memory_space<vmem>>
      %dma_start3A_423 = tpu.memref_squeeze %dma_start3A_422 : memref<1x8xi32, #tpu.memory_space<vmem>> -> memref<8xi32, #tpu.memory_space<vmem>>
      %dma_start3A_424 = arith.constant 0 : i32
      %dma_start3A_425 = arith.constant 0 : i32
      %dma_start3A_426 = tpu.memref_slice %arg3[%dma_start3A_424, %dma_start3A_425] : memref<8192x1024xf32, #tpu.memory_space<hbm>> -> memref<8192x1024xf32, #tpu.memory_space<hbm>>
      tpu.enqueue_indirect_dma source(%dma_start3A_426 : memref<8192x1024xf32, #tpu.memory_space<hbm>>) target(%arg6 : memref<8x1024xf32, #tpu.memory_space<vmem>>) offsets(%dma_start3A_423 : memref<8xi32, #tpu.memory_space<vmem>>) semaphore(%arg14 : memref<!tpu.dma_semaphore, #tpu.memory_space<semaphore_mem>>)
      %add3A_427 = arith.constant 1 : i32
      %add3A_428 = arith.addi %mul3A_262, %add3A_427 : i32
      %dma_wait3A_429 = arith.constant 0 : i32
      %dma_wait3A_430 = arith.constant 0 : i32
      %dma_wait3A_431 = tpu.memref_slice %arg4[%add3A, %add3A_428, %dma_wait3A_429, %dma_wait3A_430] : memref<32x128x8x1024xf32, #tpu.memory_space<hbm>> -> memref<1x1x8x1024xf32, #tpu.memory_space<hbm>>
      %dma_wait3A_432 = tpu.memref_squeeze %dma_wait3A_431 : memref<1x1x8x1024xf32, #tpu.memory_space<hbm>> -> memref<8x1024xf32, #tpu.memory_space<hbm>>
      %dma_wait3A_433 = arith.constant 0 : i32
      %dma_wait3A_434 = arith.constant 0 : i32
      %dma_wait3A_435 = tpu.memref_slice %arg4[%add3A, %add3A_428, %dma_wait3A_433, %dma_wait3A_434] : memref<32x128x8x1024xf32, #tpu.memory_space<hbm>> -> memref<1x1x8x1024xf32, #tpu.memory_space<hbm>>
      %dma_wait3A_436 = tpu.memref_squeeze %dma_wait3A_435 : memref<1x1x8x1024xf32, #tpu.memory_space<hbm>> -> memref<8x1024xf32, #tpu.memory_space<hbm>>
      tpu.wait_dma2 semaphore(%arg23 : memref<!tpu.dma_semaphore, #tpu.memory_space<semaphore_mem>>) src(%arg7 : memref<8x1024xf32, #tpu.memory_space<vmem>>) dst(%dma_wait3A_436 : memref<8x1024xf32, #tpu.memory_space<hbm>>)
      %add3A_437 = arith.constant 1 : i32
      %add3A_438 = arith.addi %mul3A_262, %add3A_437 : i32
      %add3A_439 = arith.constant 8 : i32
      %add3A_440 = arith.addi %add3A_438, %add3A_439 : i32
      %dma_start3A_441 = arith.constant 0 : i32
      %dma_start3A_442 = tpu.memref_slice %arg5[%add3A_440, %dma_start3A_441] : memref<128x8xi32, #tpu.memory_space<vmem>> -> memref<1x8xi32, #tpu.memory_space<vmem>>
      %dma_start3A_443 = tpu.memref_squeeze %dma_start3A_442 : memref<1x8xi32, #tpu.memory_space<vmem>> -> memref<8xi32, #tpu.memory_space<vmem>>
      %dma_start3A_444 = arith.constant 0 : i32
      %dma_start3A_445 = arith.constant 0 : i32
      %dma_start3A_446 = tpu.memref_slice %arg3[%dma_start3A_444, %dma_start3A_445] : memref<8192x1024xf32, #tpu.memory_space<hbm>> -> memref<8192x1024xf32, #tpu.memory_space<hbm>>
      tpu.enqueue_indirect_dma source(%dma_start3A_446 : memref<8192x1024xf32, #tpu.memory_space<hbm>>) target(%arg7 : memref<8x1024xf32, #tpu.memory_space<vmem>>) offsets(%dma_start3A_443 : memref<8xi32, #tpu.memory_space<vmem>>) semaphore(%arg15 : memref<!tpu.dma_semaphore, #tpu.memory_space<semaphore_mem>>)
      %add3A_447 = arith.constant 2 : i32
      %add3A_448 = arith.addi %mul3A_262, %add3A_447 : i32
      %dma_wait3A_449 = arith.constant 0 : i32
      %dma_wait3A_450 = arith.constant 0 : i32
      %dma_wait3A_451 = tpu.memref_slice %arg4[%add3A, %add3A_448, %dma_wait3A_449, %dma_wait3A_450] : memref<32x128x8x1024xf32, #tpu.memory_space<hbm>> -> memref<1x1x8x1024xf32, #tpu.memory_space<hbm>>
      %dma_wait3A_452 = tpu.memref_squeeze %dma_wait3A_451 : memref<1x1x8x1024xf32, #tpu.memory_space<hbm>> -> memref<8x1024xf32, #tpu.memory_space<hbm>>
      %dma_wait3A_453 = arith.constant 0 : i32
      %dma_wait3A_454 = arith.constant 0 : i32
      %dma_wait3A_455 = tpu.memref_slice %arg4[%add3A, %add3A_448, %dma_wait3A_453, %dma_wait3A_454] : memref<32x128x8x1024xf32, #tpu.memory_space<hbm>> -> memref<1x1x8x1024xf32, #tpu.memory_space<hbm>>
      %dma_wait3A_456 = tpu.memref_squeeze %dma_wait3A_455 : memref<1x1x8x1024xf32, #tpu.memory_space<hbm>> -> memref<8x1024xf32, #tpu.memory_space<hbm>>
      tpu.wait_dma2 semaphore(%arg24 : memref<!tpu.dma_semaphore, #tpu.memory_space<semaphore_mem>>) src(%arg8 : memref<8x1024xf32, #tpu.memory_space<vmem>>) dst(%dma_wait3A_456 : memref<8x1024xf32, #tpu.memory_space<hbm>>)
      %add3A_457 = arith.constant 2 : i32
      %add3A_458 = arith.addi %mul3A_262, %add3A_457 : i32
      %add3A_459 = arith.constant 8 : i32
      %add3A_460 = arith.addi %add3A_458, %add3A_459 : i32
      %dma_start3A_461 = arith.constant 0 : i32
      %dma_start3A_462 = tpu.memref_slice %arg5[%add3A_460, %dma_start3A_461] : memref<128x8xi32, #tpu.memory_space<vmem>> -> memref<1x8xi32, #tpu.memory_space<vmem>>
      %dma_start3A_463 = tpu.memref_squeeze %dma_start3A_462 : memref<1x8xi32, #tpu.memory_space<vmem>> -> memref<8xi32, #tpu.memory_space<vmem>>
      %dma_start3A_464 = arith.constant 0 : i32
      %dma_start3A_465 = arith.constant 0 : i32
      %dma_start3A_466 = tpu.memref_slice %arg3[%dma_start3A_464, %dma_start3A_465] : memref<8192x1024xf32, #tpu.memory_space<hbm>> -> memref<8192x1024xf32, #tpu.memory_space<hbm>>
      tpu.enqueue_indirect_dma source(%dma_start3A_466 : memref<8192x1024xf32, #tpu.memory_space<hbm>>) target(%arg8 : memref<8x1024xf32, #tpu.memory_space<vmem>>) offsets(%dma_start3A_463 : memref<8xi32, #tpu.memory_space<vmem>>) semaphore(%arg16 : memref<!tpu.dma_semaphore, #tpu.memory_space<semaphore_mem>>)
      %add3A_467 = arith.constant 3 : i32
      %add3A_468 = arith.addi %mul3A_262, %add3A_467 : i32
      %dma_wait3A_469 = arith.constant 0 : i32
      %dma_wait3A_470 = arith.constant 0 : i32
      %dma_wait3A_471 = tpu.memref_slice %arg4[%add3A, %add3A_468, %dma_wait3A_469, %dma_wait3A_470] : memref<32x128x8x1024xf32, #tpu.memory_space<hbm>> -> memref<1x1x8x1024xf32, #tpu.memory_space<hbm>>
      %dma_wait3A_472 = tpu.memref_squeeze %dma_wait3A_471 : memref<1x1x8x1024xf32, #tpu.memory_space<hbm>> -> memref<8x1024xf32, #tpu.memory_space<hbm>>
      %dma_wait3A_473 = arith.constant 0 : i32
      %dma_wait3A_474 = arith.constant 0 : i32
      %dma_wait3A_475 = tpu.memref_slice %arg4[%add3A, %add3A_468, %dma_wait3A_473, %dma_wait3A_474] : memref<32x128x8x1024xf32, #tpu.memory_space<hbm>> -> memref<1x1x8x1024xf32, #tpu.memory_space<hbm>>
      %dma_wait3A_476 = tpu.memref_squeeze %dma_wait3A_475 : memref<1x1x8x1024xf32, #tpu.memory_space<hbm>> -> memref<8x1024xf32, #tpu.memory_space<hbm>>
      tpu.wait_dma2 semaphore(%arg25 : memref<!tpu.dma_semaphore, #tpu.memory_space<semaphore_mem>>) src(%arg9 : memref<8x1024xf32, #tpu.memory_space<vmem>>) dst(%dma_wait3A_476 : memref<8x1024xf32, #tpu.memory_space<hbm>>)
      %add3A_477 = arith.constant 3 : i32
      %add3A_478 = arith.addi %mul3A_262, %add3A_477 : i32
      %add3A_479 = arith.constant 8 : i32
      %add3A_480 = arith.addi %add3A_478, %add3A_479 : i32
      %dma_start3A_481 = arith.constant 0 : i32
      %dma_start3A_482 = tpu.memref_slice %arg5[%add3A_480, %dma_start3A_481] : memref<128x8xi32, #tpu.memory_space<vmem>> -> memref<1x8xi32, #tpu.memory_space<vmem>>
      %dma_start3A_483 = tpu.memref_squeeze %dma_start3A_482 : memref<1x8xi32, #tpu.memory_space<vmem>> -> memref<8xi32, #tpu.memory_space<vmem>>
      %dma_start3A_484 = arith.constant 0 : i32
      %dma_start3A_485 = arith.constant 0 : i32
      %dma_start3A_486 = tpu.memref_slice %arg3[%dma_start3A_484, %dma_start3A_485] : memref<8192x1024xf32, #tpu.memory_space<hbm>> -> memref<8192x1024xf32, #tpu.memory_space<hbm>>
      tpu.enqueue_indirect_dma source(%dma_start3A_486 : memref<8192x1024xf32, #tpu.memory_space<hbm>>) target(%arg9 : memref<8x1024xf32, #tpu.memory_space<vmem>>) offsets(%dma_start3A_483 : memref<8xi32, #tpu.memory_space<vmem>>) semaphore(%arg17 : memref<!tpu.dma_semaphore, #tpu.memory_space<semaphore_mem>>)
      %add3A_487 = arith.constant 4 : i32
      %add3A_488 = arith.addi %mul3A_262, %add3A_487 : i32
      %dma_wait3A_489 = arith.constant 0 : i32
      %dma_wait3A_490 = arith.constant 0 : i32
      %dma_wait3A_491 = tpu.memref_slice %arg4[%add3A, %add3A_488, %dma_wait3A_489, %dma_wait3A_490] : memref<32x128x8x1024xf32, #tpu.memory_space<hbm>> -> memref<1x1x8x1024xf32, #tpu.memory_space<hbm>>
      %dma_wait3A_492 = tpu.memref_squeeze %dma_wait3A_491 : memref<1x1x8x1024xf32, #tpu.memory_space<hbm>> -> memref<8x1024xf32, #tpu.memory_space<hbm>>
      %dma_wait3A_493 = arith.constant 0 : i32
      %dma_wait3A_494 = arith.constant 0 : i32
      %dma_wait3A_495 = tpu.memref_slice %arg4[%add3A, %add3A_488, %dma_wait3A_493, %dma_wait3A_494] : memref<32x128x8x1024xf32, #tpu.memory_space<hbm>> -> memref<1x1x8x1024xf32, #tpu.memory_space<hbm>>
      %dma_wait3A_496 = tpu.memref_squeeze %dma_wait3A_495 : memref<1x1x8x1024xf32, #tpu.memory_space<hbm>> -> memref<8x1024xf32, #tpu.memory_space<hbm>>
      tpu.wait_dma2 semaphore(%arg26 : memref<!tpu.dma_semaphore, #tpu.memory_space<semaphore_mem>>) src(%arg10 : memref<8x1024xf32, #tpu.memory_space<vmem>>) dst(%dma_wait3A_496 : memref<8x1024xf32, #tpu.memory_space<hbm>>)
      %add3A_497 = arith.constant 4 : i32
      %add3A_498 = arith.addi %mul3A_262, %add3A_497 : i32
      %add3A_499 = arith.constant 8 : i32
      %add3A_500 = arith.addi %add3A_498, %add3A_499 : i32
      %dma_start3A_501 = arith.constant 0 : i32
      %dma_start3A_502 = tpu.memref_slice %arg5[%add3A_500, %dma_start3A_501] : memref<128x8xi32, #tpu.memory_space<vmem>> -> memref<1x8xi32, #tpu.memory_space<vmem>>
      %dma_start3A_503 = tpu.memref_squeeze %dma_start3A_502 : memref<1x8xi32, #tpu.memory_space<vmem>> -> memref<8xi32, #tpu.memory_space<vmem>>
      %dma_start3A_504 = arith.constant 0 : i32
      %dma_start3A_505 = arith.constant 0 : i32
      %dma_start3A_506 = tpu.memref_slice %arg3[%dma_start3A_504, %dma_start3A_505] : memref<8192x1024xf32, #tpu.memory_space<hbm>> -> memref<8192x1024xf32, #tpu.memory_space<hbm>>
      tpu.enqueue_indirect_dma source(%dma_start3A_506 : memref<8192x1024xf32, #tpu.memory_space<hbm>>) target(%arg10 : memref<8x1024xf32, #tpu.memory_space<vmem>>) offsets(%dma_start3A_503 : memref<8xi32, #tpu.memory_space<vmem>>) semaphore(%arg18 : memref<!tpu.dma_semaphore, #tpu.memory_space<semaphore_mem>>)
      %add3A_507 = arith.constant 5 : i32
      %add3A_508 = arith.addi %mul3A_262, %add3A_507 : i32
      %dma_wait3A_509 = arith.constant 0 : i32
      %dma_wait3A_510 = arith.constant 0 : i32
      %dma_wait3A_511 = tpu.memref_slice %arg4[%add3A, %add3A_508, %dma_wait3A_509, %dma_wait3A_510] : memref<32x128x8x1024xf32, #tpu.memory_space<hbm>> -> memref<1x1x8x1024xf32, #tpu.memory_space<hbm>>
      %dma_wait3A_512 = tpu.memref_squeeze %dma_wait3A_511 : memref<1x1x8x1024xf32, #tpu.memory_space<hbm>> -> memref<8x1024xf32, #tpu.memory_space<hbm>>
      %dma_wait3A_513 = arith.constant 0 : i32
      %dma_wait3A_514 = arith.constant 0 : i32
      %dma_wait3A_515 = tpu.memref_slice %arg4[%add3A, %add3A_508, %dma_wait3A_513, %dma_wait3A_514] : memref<32x128x8x1024xf32, #tpu.memory_space<hbm>> -> memref<1x1x8x1024xf32, #tpu.memory_space<hbm>>
      %dma_wait3A_516 = tpu.memref_squeeze %dma_wait3A_515 : memref<1x1x8x1024xf32, #tpu.memory_space<hbm>> -> memref<8x1024xf32, #tpu.memory_space<hbm>>
      tpu.wait_dma2 semaphore(%arg27 : memref<!tpu.dma_semaphore, #tpu.memory_space<semaphore_mem>>) src(%arg11 : memref<8x1024xf32, #tpu.memory_space<vmem>>) dst(%dma_wait3A_516 : memref<8x1024xf32, #tpu.memory_space<hbm>>)
      %add3A_517 = arith.constant 5 : i32
      %add3A_518 = arith.addi %mul3A_262, %add3A_517 : i32
      %add3A_519 = arith.constant 8 : i32
      %add3A_520 = arith.addi %add3A_518, %add3A_519 : i32
      %dma_start3A_521 = arith.constant 0 : i32
      %dma_start3A_522 = tpu.memref_slice %arg5[%add3A_520, %dma_start3A_521] : memref<128x8xi32, #tpu.memory_space<vmem>> -> memref<1x8xi32, #tpu.memory_space<vmem>>
      %dma_start3A_523 = tpu.memref_squeeze %dma_start3A_522 : memref<1x8xi32, #tpu.memory_space<vmem>> -> memref<8xi32, #tpu.memory_space<vmem>>
      %dma_start3A_524 = arith.constant 0 : i32
      %dma_start3A_525 = arith.constant 0 : i32
      %dma_start3A_526 = tpu.memref_slice %arg3[%dma_start3A_524, %dma_start3A_525] : memref<8192x1024xf32, #tpu.memory_space<hbm>> -> memref<8192x1024xf32, #tpu.memory_space<hbm>>
      tpu.enqueue_indirect_dma source(%dma_start3A_526 : memref<8192x1024xf32, #tpu.memory_space<hbm>>) target(%arg11 : memref<8x1024xf32, #tpu.memory_space<vmem>>) offsets(%dma_start3A_523 : memref<8xi32, #tpu.memory_space<vmem>>) semaphore(%arg19 : memref<!tpu.dma_semaphore, #tpu.memory_space<semaphore_mem>>)
      %add3A_527 = arith.constant 6 : i32
      %add3A_528 = arith.addi %mul3A_262, %add3A_527 : i32
      %dma_wait3A_529 = arith.constant 0 : i32
      %dma_wait3A_530 = arith.constant 0 : i32
      %dma_wait3A_531 = tpu.memref_slice %arg4[%add3A, %add3A_528, %dma_wait3A_529, %dma_wait3A_530] : memref<32x128x8x1024xf32, #tpu.memory_space<hbm>> -> memref<1x1x8x1024xf32, #tpu.memory_space<hbm>>
      %dma_wait3A_532 = tpu.memref_squeeze %dma_wait3A_531 : memref<1x1x8x1024xf32, #tpu.memory_space<hbm>> -> memref<8x1024xf32, #tpu.memory_space<hbm>>
      %dma_wait3A_533 = arith.constant 0 : i32
      %dma_wait3A_534 = arith.constant 0 : i32
      %dma_wait3A_535 = tpu.memref_slice %arg4[%add3A, %add3A_528, %dma_wait3A_533, %dma_wait3A_534] : memref<32x128x8x1024xf32, #tpu.memory_space<hbm>> -> memref<1x1x8x1024xf32, #tpu.memory_space<hbm>>
      %dma_wait3A_536 = tpu.memref_squeeze %dma_wait3A_535 : memref<1x1x8x1024xf32, #tpu.memory_space<hbm>> -> memref<8x1024xf32, #tpu.memory_space<hbm>>
      tpu.wait_dma2 semaphore(%arg28 : memref<!tpu.dma_semaphore, #tpu.memory_space<semaphore_mem>>) src(%arg12 : memref<8x1024xf32, #tpu.memory_space<vmem>>) dst(%dma_wait3A_536 : memref<8x1024xf32, #tpu.memory_space<hbm>>)
      %add3A_537 = arith.constant 6 : i32
      %add3A_538 = arith.addi %mul3A_262, %add3A_537 : i32
      %add3A_539 = arith.constant 8 : i32
      %add3A_540 = arith.addi %add3A_538, %add3A_539 : i32
      %dma_start3A_541 = arith.constant 0 : i32
      %dma_start3A_542 = tpu.memref_slice %arg5[%add3A_540, %dma_start3A_541] : memref<128x8xi32, #tpu.memory_space<vmem>> -> memref<1x8xi32, #tpu.memory_space<vmem>>
      %dma_start3A_543 = tpu.memref_squeeze %dma_start3A_542 : memref<1x8xi32, #tpu.memory_space<vmem>> -> memref<8xi32, #tpu.memory_space<vmem>>
      %dma_start3A_544 = arith.constant 0 : i32
      %dma_start3A_545 = arith.constant 0 : i32
      %dma_start3A_546 = tpu.memref_slice %arg3[%dma_start3A_544, %dma_start3A_545] : memref<8192x1024xf32, #tpu.memory_space<hbm>> -> memref<8192x1024xf32, #tpu.memory_space<hbm>>
      tpu.enqueue_indirect_dma source(%dma_start3A_546 : memref<8192x1024xf32, #tpu.memory_space<hbm>>) target(%arg12 : memref<8x1024xf32, #tpu.memory_space<vmem>>) offsets(%dma_start3A_543 : memref<8xi32, #tpu.memory_space<vmem>>) semaphore(%arg20 : memref<!tpu.dma_semaphore, #tpu.memory_space<semaphore_mem>>)
      %add3A_547 = arith.constant 7 : i32
      %add3A_548 = arith.addi %mul3A_262, %add3A_547 : i32
      %dma_wait3A_549 = arith.constant 0 : i32
      %dma_wait3A_550 = arith.constant 0 : i32
      %dma_wait3A_551 = tpu.memref_slice %arg4[%add3A, %add3A_548, %dma_wait3A_549, %dma_wait3A_550] : memref<32x128x8x1024xf32, #tpu.memory_space<hbm>> -> memref<1x1x8x1024xf32, #tpu.memory_space<hbm>>
      %dma_wait3A_552 = tpu.memref_squeeze %dma_wait3A_551 : memref<1x1x8x1024xf32, #tpu.memory_space<hbm>> -> memref<8x1024xf32, #tpu.memory_space<hbm>>
      %dma_wait3A_553 = arith.constant 0 : i32
      %dma_wait3A_554 = arith.constant 0 : i32
      %dma_wait3A_555 = tpu.memref_slice %arg4[%add3A, %add3A_548, %dma_wait3A_553, %dma_wait3A_554] : memref<32x128x8x1024xf32, #tpu.memory_space<hbm>> -> memref<1x1x8x1024xf32, #tpu.memory_space<hbm>>
      %dma_wait3A_556 = tpu.memref_squeeze %dma_wait3A_555 : memref<1x1x8x1024xf32, #tpu.memory_space<hbm>> -> memref<8x1024xf32, #tpu.memory_space<hbm>>
      tpu.wait_dma2 semaphore(%arg29 : memref<!tpu.dma_semaphore, #tpu.memory_space<semaphore_mem>>) src(%arg13 : memref<8x1024xf32, #tpu.memory_space<vmem>>) dst(%dma_wait3A_556 : memref<8x1024xf32, #tpu.memory_space<hbm>>)
      %add3A_557 = arith.constant 7 : i32
      %add3A_558 = arith.addi %mul3A_262, %add3A_557 : i32
      %add3A_559 = arith.constant 8 : i32
      %add3A_560 = arith.addi %add3A_558, %add3A_559 : i32
      %dma_start3A_561 = arith.constant 0 : i32
      %dma_start3A_562 = tpu.memref_slice %arg5[%add3A_560, %dma_start3A_561] : memref<128x8xi32, #tpu.memory_space<vmem>> -> memref<1x8xi32, #tpu.memory_space<vmem>>
      %dma_start3A_563 = tpu.memref_squeeze %dma_start3A_562 : memref<1x8xi32, #tpu.memory_space<vmem>> -> memref<8xi32, #tpu.memory_space<vmem>>
      %dma_start3A_564 = arith.constant 0 : i32
      %dma_start3A_565 = arith.constant 0 : i32
      %dma_start3A_566 = tpu.memref_slice %arg3[%dma_start3A_564, %dma_start3A_565] : memref<8192x1024xf32, #tpu.memory_space<hbm>> -> memref<8192x1024xf32, #tpu.memory_space<hbm>>
      tpu.enqueue_indirect_dma source(%dma_start3A_566 : memref<8192x1024xf32, #tpu.memory_space<hbm>>) target(%arg13 : memref<8x1024xf32, #tpu.memory_space<vmem>>) offsets(%dma_start3A_563 : memref<8xi32, #tpu.memory_space<vmem>>) semaphore(%arg21 : memref<!tpu.dma_semaphore, #tpu.memory_space<semaphore_mem>>)
    }
    %scan3A_60 = arith.constant 15 : i32
    %dma_wait3A = arith.constant 120 : i32
    %dma_wait3A_61 = arith.constant 0 : i32
    %dma_wait3A_62 = tpu.memref_slice %arg5[%dma_wait3A, %dma_wait3A_61] : memref<128x8xi32, #tpu.memory_space<vmem>> -> memref<1x8xi32, #tpu.memory_space<vmem>>
    %dma_wait3A_63 = tpu.memref_squeeze %dma_wait3A_62 : memref<1x8xi32, #tpu.memory_space<vmem>> -> memref<8xi32, #tpu.memory_space<vmem>>
    %dma_wait3A_64 = arith.constant 0 : i32
    %dma_wait3A_65 = arith.constant 0 : i32
    %dma_wait3A_66 = tpu.memref_slice %arg3[%dma_wait3A_64, %dma_wait3A_65] : memref<8192x1024xf32, #tpu.memory_space<hbm>> -> memref<8192x1024xf32, #tpu.memory_space<hbm>>
    tpu.wait_indirect_dma semaphore(%arg14 : memref<!tpu.dma_semaphore, #tpu.memory_space<semaphore_mem>>) src(%dma_wait3A_66 : memref<8192x1024xf32, #tpu.memory_space<hbm>>) dst(%arg6 : memref<8x1024xf32, #tpu.memory_space<vmem>>)
    %dma_start3A_67 = arith.constant 120 : i32
    %dma_start3A_68 = arith.constant 0 : i32
    %dma_start3A_69 = arith.constant 0 : i32
    %dma_start3A_70 = tpu.memref_slice %arg4[%add3A, %dma_start3A_67, %dma_start3A_68, %dma_start3A_69] : memref<32x128x8x1024xf32, #tpu.memory_space<hbm>> -> memref<1x1x8x1024xf32, #tpu.memory_space<hbm>>
    %dma_start3A_71 = tpu.memref_squeeze %dma_start3A_70 : memref<1x1x8x1024xf32, #tpu.memory_space<hbm>> -> memref<8x1024xf32, #tpu.memory_space<hbm>>
    %dma_start3A_72 = arith.constant 0 : i32
    %dma_start3A_73 = arith.constant 0 : i32
    %dma_start3A_74 = tpu.memref_slice %arg4[%add3A, %dma_start3A_67, %dma_start3A_72, %dma_start3A_73] : memref<32x128x8x1024xf32, #tpu.memory_space<hbm>> -> memref<1x1x8x1024xf32, #tpu.memory_space<hbm>>
    %dma_start3A_75 = tpu.memref_squeeze %dma_start3A_74 : memref<1x1x8x1024xf32, #tpu.memory_space<hbm>> -> memref<8x1024xf32, #tpu.memory_space<hbm>>
    tpu.enqueue_dma source(%arg6 : memref<8x1024xf32, #tpu.memory_space<vmem>>) target(%dma_start3A_75 : memref<8x1024xf32, #tpu.memory_space<hbm>>) target_semaphore(%arg22 : memref<!tpu.dma_semaphore, #tpu.memory_space<semaphore_mem>>)
    %dma_wait3A_76 = arith.constant 121 : i32
    %dma_wait3A_77 = arith.constant 0 : i32
    %dma_wait3A_78 = tpu.memref_slice %arg5[%dma_wait3A_76, %dma_wait3A_77] : memref<128x8xi32, #tpu.memory_space<vmem>> -> memref<1x8xi32, #tpu.memory_space<vmem>>
    %dma_wait3A_79 = tpu.memref_squeeze %dma_wait3A_78 : memref<1x8xi32, #tpu.memory_space<vmem>> -> memref<8xi32, #tpu.memory_space<vmem>>
    %dma_wait3A_80 = arith.constant 0 : i32
    %dma_wait3A_81 = arith.constant 0 : i32
    %dma_wait3A_82 = tpu.memref_slice %arg3[%dma_wait3A_80, %dma_wait3A_81] : memref<8192x1024xf32, #tpu.memory_space<hbm>> -> memref<8192x1024xf32, #tpu.memory_space<hbm>>
    tpu.wait_indirect_dma semaphore(%arg15 : memref<!tpu.dma_semaphore, #tpu.memory_space<semaphore_mem>>) src(%dma_wait3A_82 : memref<8192x1024xf32, #tpu.memory_space<hbm>>) dst(%arg7 : memref<8x1024xf32, #tpu.memory_space<vmem>>)
    %dma_start3A_83 = arith.constant 121 : i32
    %dma_start3A_84 = arith.constant 0 : i32
    %dma_start3A_85 = arith.constant 0 : i32
    %dma_start3A_86 = tpu.memref_slice %arg4[%add3A, %dma_start3A_83, %dma_start3A_84, %dma_start3A_85] : memref<32x128x8x1024xf32, #tpu.memory_space<hbm>> -> memref<1x1x8x1024xf32, #tpu.memory_space<hbm>>
    %dma_start3A_87 = tpu.memref_squeeze %dma_start3A_86 : memref<1x1x8x1024xf32, #tpu.memory_space<hbm>> -> memref<8x1024xf32, #tpu.memory_space<hbm>>
    %dma_start3A_88 = arith.constant 0 : i32
    %dma_start3A_89 = arith.constant 0 : i32
    %dma_start3A_90 = tpu.memref_slice %arg4[%add3A, %dma_start3A_83, %dma_start3A_88, %dma_start3A_89] : memref<32x128x8x1024xf32, #tpu.memory_space<hbm>> -> memref<1x1x8x1024xf32, #tpu.memory_space<hbm>>
    %dma_start3A_91 = tpu.memref_squeeze %dma_start3A_90 : memref<1x1x8x1024xf32, #tpu.memory_space<hbm>> -> memref<8x1024xf32, #tpu.memory_space<hbm>>
    tpu.enqueue_dma source(%arg7 : memref<8x1024xf32, #tpu.memory_space<vmem>>) target(%dma_start3A_91 : memref<8x1024xf32, #tpu.memory_space<hbm>>) target_semaphore(%arg23 : memref<!tpu.dma_semaphore, #tpu.memory_space<semaphore_mem>>)
    %dma_wait3A_92 = arith.constant 122 : i32
    %dma_wait3A_93 = arith.constant 0 : i32
    %dma_wait3A_94 = tpu.memref_slice %arg5[%dma_wait3A_92, %dma_wait3A_93] : memref<128x8xi32, #tpu.memory_space<vmem>> -> memref<1x8xi32, #tpu.memory_space<vmem>>
    %dma_wait3A_95 = tpu.memref_squeeze %dma_wait3A_94 : memref<1x8xi32, #tpu.memory_space<vmem>> -> memref<8xi32, #tpu.memory_space<vmem>>
    %dma_wait3A_96 = arith.constant 0 : i32
    %dma_wait3A_97 = arith.constant 0 : i32
    %dma_wait3A_98 = tpu.memref_slice %arg3[%dma_wait3A_96, %dma_wait3A_97] : memref<8192x1024xf32, #tpu.memory_space<hbm>> -> memref<8192x1024xf32, #tpu.memory_space<hbm>>
    tpu.wait_indirect_dma semaphore(%arg16 : memref<!tpu.dma_semaphore, #tpu.memory_space<semaphore_mem>>) src(%dma_wait3A_98 : memref<8192x1024xf32, #tpu.memory_space<hbm>>) dst(%arg8 : memref<8x1024xf32, #tpu.memory_space<vmem>>)
    %dma_start3A_99 = arith.constant 122 : i32
    %dma_start3A_100 = arith.constant 0 : i32
    %dma_start3A_101 = arith.constant 0 : i32
    %dma_start3A_102 = tpu.memref_slice %arg4[%add3A, %dma_start3A_99, %dma_start3A_100, %dma_start3A_101] : memref<32x128x8x1024xf32, #tpu.memory_space<hbm>> -> memref<1x1x8x1024xf32, #tpu.memory_space<hbm>>
    %dma_start3A_103 = tpu.memref_squeeze %dma_start3A_102 : memref<1x1x8x1024xf32, #tpu.memory_space<hbm>> -> memref<8x1024xf32, #tpu.memory_space<hbm>>
    %dma_start3A_104 = arith.constant 0 : i32
    %dma_start3A_105 = arith.constant 0 : i32
    %dma_start3A_106 = tpu.memref_slice %arg4[%add3A, %dma_start3A_99, %dma_start3A_104, %dma_start3A_105] : memref<32x128x8x1024xf32, #tpu.memory_space<hbm>> -> memref<1x1x8x1024xf32, #tpu.memory_space<hbm>>
    %dma_start3A_107 = tpu.memref_squeeze %dma_start3A_106 : memref<1x1x8x1024xf32, #tpu.memory_space<hbm>> -> memref<8x1024xf32, #tpu.memory_space<hbm>>
    tpu.enqueue_dma source(%arg8 : memref<8x1024xf32, #tpu.memory_space<vmem>>) target(%dma_start3A_107 : memref<8x1024xf32, #tpu.memory_space<hbm>>) target_semaphore(%arg24 : memref<!tpu.dma_semaphore, #tpu.memory_space<semaphore_mem>>)
    %dma_wait3A_108 = arith.constant 123 : i32
    %dma_wait3A_109 = arith.constant 0 : i32
    %dma_wait3A_110 = tpu.memref_slice %arg5[%dma_wait3A_108, %dma_wait3A_109] : memref<128x8xi32, #tpu.memory_space<vmem>> -> memref<1x8xi32, #tpu.memory_space<vmem>>
    %dma_wait3A_111 = tpu.memref_squeeze %dma_wait3A_110 : memref<1x8xi32, #tpu.memory_space<vmem>> -> memref<8xi32, #tpu.memory_space<vmem>>
    %dma_wait3A_112 = arith.constant 0 : i32
    %dma_wait3A_113 = arith.constant 0 : i32
    %dma_wait3A_114 = tpu.memref_slice %arg3[%dma_wait3A_112, %dma_wait3A_113] : memref<8192x1024xf32, #tpu.memory_space<hbm>> -> memref<8192x1024xf32, #tpu.memory_space<hbm>>
    tpu.wait_indirect_dma semaphore(%arg17 : memref<!tpu.dma_semaphore, #tpu.memory_space<semaphore_mem>>) src(%dma_wait3A_114 : memref<8192x1024xf32, #tpu.memory_space<hbm>>) dst(%arg9 : memref<8x1024xf32, #tpu.memory_space<vmem>>)
    %dma_start3A_115 = arith.constant 123 : i32
    %dma_start3A_116 = arith.constant 0 : i32
    %dma_start3A_117 = arith.constant 0 : i32
    %dma_start3A_118 = tpu.memref_slice %arg4[%add3A, %dma_start3A_115, %dma_start3A_116, %dma_start3A_117] : memref<32x128x8x1024xf32, #tpu.memory_space<hbm>> -> memref<1x1x8x1024xf32, #tpu.memory_space<hbm>>
    %dma_start3A_119 = tpu.memref_squeeze %dma_start3A_118 : memref<1x1x8x1024xf32, #tpu.memory_space<hbm>> -> memref<8x1024xf32, #tpu.memory_space<hbm>>
    %dma_start3A_120 = arith.constant 0 : i32
    %dma_start3A_121 = arith.constant 0 : i32
    %dma_start3A_122 = tpu.memref_slice %arg4[%add3A, %dma_start3A_115, %dma_start3A_120, %dma_start3A_121] : memref<32x128x8x1024xf32, #tpu.memory_space<hbm>> -> memref<1x1x8x1024xf32, #tpu.memory_space<hbm>>
    %dma_start3A_123 = tpu.memref_squeeze %dma_start3A_122 : memref<1x1x8x1024xf32, #tpu.memory_space<hbm>> -> memref<8x1024xf32, #tpu.memory_space<hbm>>
    tpu.enqueue_dma source(%arg9 : memref<8x1024xf32, #tpu.memory_space<vmem>>) target(%dma_start3A_123 : memref<8x1024xf32, #tpu.memory_space<hbm>>) target_semaphore(%arg25 : memref<!tpu.dma_semaphore, #tpu.memory_space<semaphore_mem>>)
    %dma_wait3A_124 = arith.constant 124 : i32
    %dma_wait3A_125 = arith.constant 0 : i32
    %dma_wait3A_126 = tpu.memref_slice %arg5[%dma_wait3A_124, %dma_wait3A_125] : memref<128x8xi32, #tpu.memory_space<vmem>> -> memref<1x8xi32, #tpu.memory_space<vmem>>
    %dma_wait3A_127 = tpu.memref_squeeze %dma_wait3A_126 : memref<1x8xi32, #tpu.memory_space<vmem>> -> memref<8xi32, #tpu.memory_space<vmem>>
    %dma_wait3A_128 = arith.constant 0 : i32
    %dma_wait3A_129 = arith.constant 0 : i32
    %dma_wait3A_130 = tpu.memref_slice %arg3[%dma_wait3A_128, %dma_wait3A_129] : memref<8192x1024xf32, #tpu.memory_space<hbm>> -> memref<8192x1024xf32, #tpu.memory_space<hbm>>
    tpu.wait_indirect_dma semaphore(%arg18 : memref<!tpu.dma_semaphore, #tpu.memory_space<semaphore_mem>>) src(%dma_wait3A_130 : memref<8192x1024xf32, #tpu.memory_space<hbm>>) dst(%arg10 : memref<8x1024xf32, #tpu.memory_space<vmem>>)
    %dma_start3A_131 = arith.constant 124 : i32
    %dma_start3A_132 = arith.constant 0 : i32
    %dma_start3A_133 = arith.constant 0 : i32
    %dma_start3A_134 = tpu.memref_slice %arg4[%add3A, %dma_start3A_131, %dma_start3A_132, %dma_start3A_133] : memref<32x128x8x1024xf32, #tpu.memory_space<hbm>> -> memref<1x1x8x1024xf32, #tpu.memory_space<hbm>>
    %dma_start3A_135 = tpu.memref_squeeze %dma_start3A_134 : memref<1x1x8x1024xf32, #tpu.memory_space<hbm>> -> memref<8x1024xf32, #tpu.memory_space<hbm>>
    %dma_start3A_136 = arith.constant 0 : i32
    %dma_start3A_137 = arith.constant 0 : i32
    %dma_start3A_138 = tpu.memref_slice %arg4[%add3A, %dma_start3A_131, %dma_start3A_136, %dma_start3A_137] : memref<32x128x8x1024xf32, #tpu.memory_space<hbm>> -> memref<1x1x8x1024xf32, #tpu.memory_space<hbm>>
    %dma_start3A_139 = tpu.memref_squeeze %dma_start3A_138 : memref<1x1x8x1024xf32, #tpu.memory_space<hbm>> -> memref<8x1024xf32, #tpu.memory_space<hbm>>
    tpu.enqueue_dma source(%arg10 : memref<8x1024xf32, #tpu.memory_space<vmem>>) target(%dma_start3A_139 : memref<8x1024xf32, #tpu.memory_space<hbm>>) target_semaphore(%arg26 : memref<!tpu.dma_semaphore, #tpu.memory_space<semaphore_mem>>)
    %dma_wait3A_140 = arith.constant 125 : i32
    %dma_wait3A_141 = arith.constant 0 : i32
    %dma_wait3A_142 = tpu.memref_slice %arg5[%dma_wait3A_140, %dma_wait3A_141] : memref<128x8xi32, #tpu.memory_space<vmem>> -> memref<1x8xi32, #tpu.memory_space<vmem>>
    %dma_wait3A_143 = tpu.memref_squeeze %dma_wait3A_142 : memref<1x8xi32, #tpu.memory_space<vmem>> -> memref<8xi32, #tpu.memory_space<vmem>>
    %dma_wait3A_144 = arith.constant 0 : i32
    %dma_wait3A_145 = arith.constant 0 : i32
    %dma_wait3A_146 = tpu.memref_slice %arg3[%dma_wait3A_144, %dma_wait3A_145] : memref<8192x1024xf32, #tpu.memory_space<hbm>> -> memref<8192x1024xf32, #tpu.memory_space<hbm>>
    tpu.wait_indirect_dma semaphore(%arg19 : memref<!tpu.dma_semaphore, #tpu.memory_space<semaphore_mem>>) src(%dma_wait3A_146 : memref<8192x1024xf32, #tpu.memory_space<hbm>>) dst(%arg11 : memref<8x1024xf32, #tpu.memory_space<vmem>>)
    %dma_start3A_147 = arith.constant 125 : i32
    %dma_start3A_148 = arith.constant 0 : i32
    %dma_start3A_149 = arith.constant 0 : i32
    %dma_start3A_150 = tpu.memref_slice %arg4[%add3A, %dma_start3A_147, %dma_start3A_148, %dma_start3A_149] : memref<32x128x8x1024xf32, #tpu.memory_space<hbm>> -> memref<1x1x8x1024xf32, #tpu.memory_space<hbm>>
    %dma_start3A_151 = tpu.memref_squeeze %dma_start3A_150 : memref<1x1x8x1024xf32, #tpu.memory_space<hbm>> -> memref<8x1024xf32, #tpu.memory_space<hbm>>
    %dma_start3A_152 = arith.constant 0 : i32
    %dma_start3A_153 = arith.constant 0 : i32
    %dma_start3A_154 = tpu.memref_slice %arg4[%add3A, %dma_start3A_147, %dma_start3A_152, %dma_start3A_153] : memref<32x128x8x1024xf32, #tpu.memory_space<hbm>> -> memref<1x1x8x1024xf32, #tpu.memory_space<hbm>>
    %dma_start3A_155 = tpu.memref_squeeze %dma_start3A_154 : memref<1x1x8x1024xf32, #tpu.memory_space<hbm>> -> memref<8x1024xf32, #tpu.memory_space<hbm>>
    tpu.enqueue_dma source(%arg11 : memref<8x1024xf32, #tpu.memory_space<vmem>>) target(%dma_start3A_155 : memref<8x1024xf32, #tpu.memory_space<hbm>>) target_semaphore(%arg27 : memref<!tpu.dma_semaphore, #tpu.memory_space<semaphore_mem>>)
    %dma_wait3A_156 = arith.constant 126 : i32
    %dma_wait3A_157 = arith.constant 0 : i32
    %dma_wait3A_158 = tpu.memref_slice %arg5[%dma_wait3A_156, %dma_wait3A_157] : memref<128x8xi32, #tpu.memory_space<vmem>> -> memref<1x8xi32, #tpu.memory_space<vmem>>
    %dma_wait3A_159 = tpu.memref_squeeze %dma_wait3A_158 : memref<1x8xi32, #tpu.memory_space<vmem>> -> memref<8xi32, #tpu.memory_space<vmem>>
    %dma_wait3A_160 = arith.constant 0 : i32
    %dma_wait3A_161 = arith.constant 0 : i32
    %dma_wait3A_162 = tpu.memref_slice %arg3[%dma_wait3A_160, %dma_wait3A_161] : memref<8192x1024xf32, #tpu.memory_space<hbm>> -> memref<8192x1024xf32, #tpu.memory_space<hbm>>
    tpu.wait_indirect_dma semaphore(%arg20 : memref<!tpu.dma_semaphore, #tpu.memory_space<semaphore_mem>>) src(%dma_wait3A_162 : memref<8192x1024xf32, #tpu.memory_space<hbm>>) dst(%arg12 : memref<8x1024xf32, #tpu.memory_space<vmem>>)
    %dma_start3A_163 = arith.constant 126 : i32
    %dma_start3A_164 = arith.constant 0 : i32
    %dma_start3A_165 = arith.constant 0 : i32
    %dma_start3A_166 = tpu.memref_slice %arg4[%add3A, %dma_start3A_163, %dma_start3A_164, %dma_start3A_165] : memref<32x128x8x1024xf32, #tpu.memory_space<hbm>> -> memref<1x1x8x1024xf32, #tpu.memory_space<hbm>>
    %dma_start3A_167 = tpu.memref_squeeze %dma_start3A_166 : memref<1x1x8x1024xf32, #tpu.memory_space<hbm>> -> memref<8x1024xf32, #tpu.memory_space<hbm>>
    %dma_start3A_168 = arith.constant 0 : i32
    %dma_start3A_169 = arith.constant 0 : i32
    %dma_start3A_170 = tpu.memref_slice %arg4[%add3A, %dma_start3A_163, %dma_start3A_168, %dma_start3A_169] : memref<32x128x8x1024xf32, #tpu.memory_space<hbm>> -> memref<1x1x8x1024xf32, #tpu.memory_space<hbm>>
    %dma_start3A_171 = tpu.memref_squeeze %dma_start3A_170 : memref<1x1x8x1024xf32, #tpu.memory_space<hbm>> -> memref<8x1024xf32, #tpu.memory_space<hbm>>
    tpu.enqueue_dma source(%arg12 : memref<8x1024xf32, #tpu.memory_space<vmem>>) target(%dma_start3A_171 : memref<8x1024xf32, #tpu.memory_space<hbm>>) target_semaphore(%arg28 : memref<!tpu.dma_semaphore, #tpu.memory_space<semaphore_mem>>)
    %dma_wait3A_172 = arith.constant 127 : i32
    %dma_wait3A_173 = arith.constant 0 : i32
    %dma_wait3A_174 = tpu.memref_slice %arg5[%dma_wait3A_172, %dma_wait3A_173] : memref<128x8xi32, #tpu.memory_space<vmem>> -> memref<1x8xi32, #tpu.memory_space<vmem>>
    %dma_wait3A_175 = tpu.memref_squeeze %dma_wait3A_174 : memref<1x8xi32, #tpu.memory_space<vmem>> -> memref<8xi32, #tpu.memory_space<vmem>>
    %dma_wait3A_176 = arith.constant 0 : i32
    %dma_wait3A_177 = arith.constant 0 : i32
    %dma_wait3A_178 = tpu.memref_slice %arg3[%dma_wait3A_176, %dma_wait3A_177] : memref<8192x1024xf32, #tpu.memory_space<hbm>> -> memref<8192x1024xf32, #tpu.memory_space<hbm>>
    tpu.wait_indirect_dma semaphore(%arg21 : memref<!tpu.dma_semaphore, #tpu.memory_space<semaphore_mem>>) src(%dma_wait3A_178 : memref<8192x1024xf32, #tpu.memory_space<hbm>>) dst(%arg13 : memref<8x1024xf32, #tpu.memory_space<vmem>>)
    %dma_start3A_179 = arith.constant 127 : i32
    %dma_start3A_180 = arith.constant 0 : i32
    %dma_start3A_181 = arith.constant 0 : i32
    %dma_start3A_182 = tpu.memref_slice %arg4[%add3A, %dma_start3A_179, %dma_start3A_180, %dma_start3A_181] : memref<32x128x8x1024xf32, #tpu.memory_space<hbm>> -> memref<1x1x8x1024xf32, #tpu.memory_space<hbm>>
    %dma_start3A_183 = tpu.memref_squeeze %dma_start3A_182 : memref<1x1x8x1024xf32, #tpu.memory_space<hbm>> -> memref<8x1024xf32, #tpu.memory_space<hbm>>
    %dma_start3A_184 = arith.constant 0 : i32
    %dma_start3A_185 = arith.constant 0 : i32
    %dma_start3A_186 = tpu.memref_slice %arg4[%add3A, %dma_start3A_179, %dma_start3A_184, %dma_start3A_185] : memref<32x128x8x1024xf32, #tpu.memory_space<hbm>> -> memref<1x1x8x1024xf32, #tpu.memory_space<hbm>>
    %dma_start3A_187 = tpu.memref_squeeze %dma_start3A_186 : memref<1x1x8x1024xf32, #tpu.memory_space<hbm>> -> memref<8x1024xf32, #tpu.memory_space<hbm>>
    tpu.enqueue_dma source(%arg13 : memref<8x1024xf32, #tpu.memory_space<vmem>>) target(%dma_start3A_187 : memref<8x1024xf32, #tpu.memory_space<hbm>>) target_semaphore(%arg29 : memref<!tpu.dma_semaphore, #tpu.memory_space<semaphore_mem>>)
    %dma_wait3A_188 = arith.constant 120 : i32
    %dma_wait3A_189 = arith.constant 0 : i32
    %dma_wait3A_190 = arith.constant 0 : i32
    %dma_wait3A_191 = tpu.memref_slice %arg4[%add3A, %dma_wait3A_188, %dma_wait3A_189, %dma_wait3A_190] : memref<32x128x8x1024xf32, #tpu.memory_space<hbm>> -> memref<1x1x8x1024xf32, #tpu.memory_space<hbm>>
    %dma_wait3A_192 = tpu.memref_squeeze %dma_wait3A_191 : memref<1x1x8x1024xf32, #tpu.memory_space<hbm>> -> memref<8x1024xf32, #tpu.memory_space<hbm>>
    %dma_wait3A_193 = arith.constant 0 : i32
    %dma_wait3A_194 = arith.constant 0 : i32
    %dma_wait3A_195 = tpu.memref_slice %arg4[%add3A, %dma_wait3A_188, %dma_wait3A_193, %dma_wait3A_194] : memref<32x128x8x1024xf32, #tpu.memory_space<hbm>> -> memref<1x1x8x1024xf32, #tpu.memory_space<hbm>>
    %dma_wait3A_196 = tpu.memref_squeeze %dma_wait3A_195 : memref<1x1x8x1024xf32, #tpu.memory_space<hbm>> -> memref<8x1024xf32, #tpu.memory_space<hbm>>
    tpu.wait_dma2 semaphore(%arg22 : memref<!tpu.dma_semaphore, #tpu.memory_space<semaphore_mem>>) src(%arg6 : memref<8x1024xf32, #tpu.memory_space<vmem>>) dst(%dma_wait3A_196 : memref<8x1024xf32, #tpu.memory_space<hbm>>)
    %dma_wait3A_197 = arith.constant 121 : i32
    %dma_wait3A_198 = arith.constant 0 : i32
    %dma_wait3A_199 = arith.constant 0 : i32
    %dma_wait3A_200 = tpu.memref_slice %arg4[%add3A, %dma_wait3A_197, %dma_wait3A_198, %dma_wait3A_199] : memref<32x128x8x1024xf32, #tpu.memory_space<hbm>> -> memref<1x1x8x1024xf32, #tpu.memory_space<hbm>>
    %dma_wait3A_201 = tpu.memref_squeeze %dma_wait3A_200 : memref<1x1x8x1024xf32, #tpu.memory_space<hbm>> -> memref<8x1024xf32, #tpu.memory_space<hbm>>
    %dma_wait3A_202 = arith.constant 0 : i32
    %dma_wait3A_203 = arith.constant 0 : i32
    %dma_wait3A_204 = tpu.memref_slice %arg4[%add3A, %dma_wait3A_197, %dma_wait3A_202, %dma_wait3A_203] : memref<32x128x8x1024xf32, #tpu.memory_space<hbm>> -> memref<1x1x8x1024xf32, #tpu.memory_space<hbm>>
    %dma_wait3A_205 = tpu.memref_squeeze %dma_wait3A_204 : memref<1x1x8x1024xf32, #tpu.memory_space<hbm>> -> memref<8x1024xf32, #tpu.memory_space<hbm>>
    tpu.wait_dma2 semaphore(%arg23 : memref<!tpu.dma_semaphore, #tpu.memory_space<semaphore_mem>>) src(%arg7 : memref<8x1024xf32, #tpu.memory_space<vmem>>) dst(%dma_wait3A_205 : memref<8x1024xf32, #tpu.memory_space<hbm>>)
    %dma_wait3A_206 = arith.constant 122 : i32
    %dma_wait3A_207 = arith.constant 0 : i32
    %dma_wait3A_208 = arith.constant 0 : i32
    %dma_wait3A_209 = tpu.memref_slice %arg4[%add3A, %dma_wait3A_206, %dma_wait3A_207, %dma_wait3A_208] : memref<32x128x8x1024xf32, #tpu.memory_space<hbm>> -> memref<1x1x8x1024xf32, #tpu.memory_space<hbm>>
    %dma_wait3A_210 = tpu.memref_squeeze %dma_wait3A_209 : memref<1x1x8x1024xf32, #tpu.memory_space<hbm>> -> memref<8x1024xf32, #tpu.memory_space<hbm>>
    %dma_wait3A_211 = arith.constant 0 : i32
    %dma_wait3A_212 = arith.constant 0 : i32
    %dma_wait3A_213 = tpu.memref_slice %arg4[%add3A, %dma_wait3A_206, %dma_wait3A_211, %dma_wait3A_212] : memref<32x128x8x1024xf32, #tpu.memory_space<hbm>> -> memref<1x1x8x1024xf32, #tpu.memory_space<hbm>>
    %dma_wait3A_214 = tpu.memref_squeeze %dma_wait3A_213 : memref<1x1x8x1024xf32, #tpu.memory_space<hbm>> -> memref<8x1024xf32, #tpu.memory_space<hbm>>
    tpu.wait_dma2 semaphore(%arg24 : memref<!tpu.dma_semaphore, #tpu.memory_space<semaphore_mem>>) src(%arg8 : memref<8x1024xf32, #tpu.memory_space<vmem>>) dst(%dma_wait3A_214 : memref<8x1024xf32, #tpu.memory_space<hbm>>)
    %dma_wait3A_215 = arith.constant 123 : i32
    %dma_wait3A_216 = arith.constant 0 : i32
    %dma_wait3A_217 = arith.constant 0 : i32
    %dma_wait3A_218 = tpu.memref_slice %arg4[%add3A, %dma_wait3A_215, %dma_wait3A_216, %dma_wait3A_217] : memref<32x128x8x1024xf32, #tpu.memory_space<hbm>> -> memref<1x1x8x1024xf32, #tpu.memory_space<hbm>>
    %dma_wait3A_219 = tpu.memref_squeeze %dma_wait3A_218 : memref<1x1x8x1024xf32, #tpu.memory_space<hbm>> -> memref<8x1024xf32, #tpu.memory_space<hbm>>
    %dma_wait3A_220 = arith.constant 0 : i32
    %dma_wait3A_221 = arith.constant 0 : i32
    %dma_wait3A_222 = tpu.memref_slice %arg4[%add3A, %dma_wait3A_215, %dma_wait3A_220, %dma_wait3A_221] : memref<32x128x8x1024xf32, #tpu.memory_space<hbm>> -> memref<1x1x8x1024xf32, #tpu.memory_space<hbm>>
    %dma_wait3A_223 = tpu.memref_squeeze %dma_wait3A_222 : memref<1x1x8x1024xf32, #tpu.memory_space<hbm>> -> memref<8x1024xf32, #tpu.memory_space<hbm>>
    tpu.wait_dma2 semaphore(%arg25 : memref<!tpu.dma_semaphore, #tpu.memory_space<semaphore_mem>>) src(%arg9 : memref<8x1024xf32, #tpu.memory_space<vmem>>) dst(%dma_wait3A_223 : memref<8x1024xf32, #tpu.memory_space<hbm>>)
    %dma_wait3A_224 = arith.constant 124 : i32
    %dma_wait3A_225 = arith.constant 0 : i32
    %dma_wait3A_226 = arith.constant 0 : i32
    %dma_wait3A_227 = tpu.memref_slice %arg4[%add3A, %dma_wait3A_224, %dma_wait3A_225, %dma_wait3A_226] : memref<32x128x8x1024xf32, #tpu.memory_space<hbm>> -> memref<1x1x8x1024xf32, #tpu.memory_space<hbm>>
    %dma_wait3A_228 = tpu.memref_squeeze %dma_wait3A_227 : memref<1x1x8x1024xf32, #tpu.memory_space<hbm>> -> memref<8x1024xf32, #tpu.memory_space<hbm>>
    %dma_wait3A_229 = arith.constant 0 : i32
    %dma_wait3A_230 = arith.constant 0 : i32
    %dma_wait3A_231 = tpu.memref_slice %arg4[%add3A, %dma_wait3A_224, %dma_wait3A_229, %dma_wait3A_230] : memref<32x128x8x1024xf32, #tpu.memory_space<hbm>> -> memref<1x1x8x1024xf32, #tpu.memory_space<hbm>>
    %dma_wait3A_232 = tpu.memref_squeeze %dma_wait3A_231 : memref<1x1x8x1024xf32, #tpu.memory_space<hbm>> -> memref<8x1024xf32, #tpu.memory_space<hbm>>
    tpu.wait_dma2 semaphore(%arg26 : memref<!tpu.dma_semaphore, #tpu.memory_space<semaphore_mem>>) src(%arg10 : memref<8x1024xf32, #tpu.memory_space<vmem>>) dst(%dma_wait3A_232 : memref<8x1024xf32, #tpu.memory_space<hbm>>)
    %dma_wait3A_233 = arith.constant 125 : i32
    %dma_wait3A_234 = arith.constant 0 : i32
    %dma_wait3A_235 = arith.constant 0 : i32
    %dma_wait3A_236 = tpu.memref_slice %arg4[%add3A, %dma_wait3A_233, %dma_wait3A_234, %dma_wait3A_235] : memref<32x128x8x1024xf32, #tpu.memory_space<hbm>> -> memref<1x1x8x1024xf32, #tpu.memory_space<hbm>>
    %dma_wait3A_237 = tpu.memref_squeeze %dma_wait3A_236 : memref<1x1x8x1024xf32, #tpu.memory_space<hbm>> -> memref<8x1024xf32, #tpu.memory_space<hbm>>
    %dma_wait3A_238 = arith.constant 0 : i32
    %dma_wait3A_239 = arith.constant 0 : i32
    %dma_wait3A_240 = tpu.memref_slice %arg4[%add3A, %dma_wait3A_233, %dma_wait3A_238, %dma_wait3A_239] : memref<32x128x8x1024xf32, #tpu.memory_space<hbm>> -> memref<1x1x8x1024xf32, #tpu.memory_space<hbm>>
    %dma_wait3A_241 = tpu.memref_squeeze %dma_wait3A_240 : memref<1x1x8x1024xf32, #tpu.memory_space<hbm>> -> memref<8x1024xf32, #tpu.memory_space<hbm>>
    tpu.wait_dma2 semaphore(%arg27 : memref<!tpu.dma_semaphore, #tpu.memory_space<semaphore_mem>>) src(%arg11 : memref<8x1024xf32, #tpu.memory_space<vmem>>) dst(%dma_wait3A_241 : memref<8x1024xf32, #tpu.memory_space<hbm>>)
    %dma_wait3A_242 = arith.constant 126 : i32
    %dma_wait3A_243 = arith.constant 0 : i32
    %dma_wait3A_244 = arith.constant 0 : i32
    %dma_wait3A_245 = tpu.memref_slice %arg4[%add3A, %dma_wait3A_242, %dma_wait3A_243, %dma_wait3A_244] : memref<32x128x8x1024xf32, #tpu.memory_space<hbm>> -> memref<1x1x8x1024xf32, #tpu.memory_space<hbm>>
    %dma_wait3A_246 = tpu.memref_squeeze %dma_wait3A_245 : memref<1x1x8x1024xf32, #tpu.memory_space<hbm>> -> memref<8x1024xf32, #tpu.memory_space<hbm>>
    %dma_wait3A_247 = arith.constant 0 : i32
    %dma_wait3A_248 = arith.constant 0 : i32
    %dma_wait3A_249 = tpu.memref_slice %arg4[%add3A, %dma_wait3A_242, %dma_wait3A_247, %dma_wait3A_248] : memref<32x128x8x1024xf32, #tpu.memory_space<hbm>> -> memref<1x1x8x1024xf32, #tpu.memory_space<hbm>>
    %dma_wait3A_250 = tpu.memref_squeeze %dma_wait3A_249 : memref<1x1x8x1024xf32, #tpu.memory_space<hbm>> -> memref<8x1024xf32, #tpu.memory_space<hbm>>
    tpu.wait_dma2 semaphore(%arg28 : memref<!tpu.dma_semaphore, #tpu.memory_space<semaphore_mem>>) src(%arg12 : memref<8x1024xf32, #tpu.memory_space<vmem>>) dst(%dma_wait3A_250 : memref<8x1024xf32, #tpu.memory_space<hbm>>)
    %dma_wait3A_251 = arith.constant 127 : i32
    %dma_wait3A_252 = arith.constant 0 : i32
    %dma_wait3A_253 = arith.constant 0 : i32
    %dma_wait3A_254 = tpu.memref_slice %arg4[%add3A, %dma_wait3A_251, %dma_wait3A_252, %dma_wait3A_253] : memref<32x128x8x1024xf32, #tpu.memory_space<hbm>> -> memref<1x1x8x1024xf32, #tpu.memory_space<hbm>>
    %dma_wait3A_255 = tpu.memref_squeeze %dma_wait3A_254 : memref<1x1x8x1024xf32, #tpu.memory_space<hbm>> -> memref<8x1024xf32, #tpu.memory_space<hbm>>
    %dma_wait3A_256 = arith.constant 0 : i32
    %dma_wait3A_257 = arith.constant 0 : i32
    %dma_wait3A_258 = tpu.memref_slice %arg4[%add3A, %dma_wait3A_251, %dma_wait3A_256, %dma_wait3A_257] : memref<32x128x8x1024xf32, #tpu.memory_space<hbm>> -> memref<1x1x8x1024xf32, #tpu.memory_space<hbm>>
    %dma_wait3A_259 = tpu.memref_squeeze %dma_wait3A_258 : memref<1x1x8x1024xf32, #tpu.memory_space<hbm>> -> memref<8x1024xf32, #tpu.memory_space<hbm>>
    tpu.wait_dma2 semaphore(%arg29 : memref<!tpu.dma_semaphore, #tpu.memory_space<semaphore_mem>>) src(%arg13 : memref<8x1024xf32, #tpu.memory_space<vmem>>) dst(%dma_wait3A_259 : memref<8x1024xf32, #tpu.memory_space<hbm>>)
    return
  }
}

</mosaic_0001>

<sc_bundles>
// kernel: kernel.3.cloned.1.call-start
scs
__scs_entry_jumppad:
0x0: {  	(pc) =	sbr.rel $0x88, $3  }
0x1: {  	(tag) =	ssettag $0x0;
	lr =	simm.s32 $0x1  }
0x2: {  	[smem:$0x3F9F] =	sst lr;
	_ =	strace $0xD0000000  }
0x3: {  	_ = 	snop  }
0x4: {  	_ = 	snop  }
0x5: {  	_ = 	snop  }
0x6: {  	_ = 	snop  }
0x7: {  	_ = 	snop  }
__scs_overlays_trampoline_lowered:
0x8: {  	[smem:$0x3FAE] =	sst s0  }
0x9: {  	[smem:$0x3FAF] =	sst s1  }
0xa: {  	[smem:$0x3FB0] =	sst s2  }
0xb: {  	[smem:$0x3FB1] =	sst s3  }
0xc: {  	[smem:$0x3FB2] =	sst s4  }
0xd: {  	[smem:$0x3FB3] =	sst s5  }
0xe: {  	[smem:$0x3FB4] =	sst s6  }
0xf: {  	[smem:$0x3FB5] =	sst s7  }
0x10: {  	[smem:$0x3FB6] =	sst s8  }
0x11: {  	[smem:$0x3FB7] =	sst s9;
	s0 =	simm.s32 @!p0 $0x0  }
0x12: {  	s1 =	sld [smem:$0x3F9D];
	s0 =	simm.s32 @p0 $0x1  }
0x13: {  	[smem:$0x3FB8] =	sst s0;
	s0 =	simm.s32 @!p1 $0x0  }
0x14: {  	s2 =	sld [smem:$0x3F9C];
	s0 =	simm.s32 @p1 $0x1  }
0x15: {  	[smem:$0x3FB9] =	sst s0;
	s0 =	simm.s32 @!p2 $0x0  }
0x16: {  	s3 =	sld [smem:$0x3FDB];
	s0 =	simm.s32 @p2 $0x1  }
0x17: {  	s4 =	simm.s32 $0x1BF5;
	[smem:$0x3FBB] =	sst s0  }
0x18: {  	s0 =	sld [smem:$0x3F9E];
	_ =	swait.ge [sflag:s4], $0x0  }
0x19: {  	s7 =	sld [smem:$0x3F9F]  }
0x1a: {  	s8 =	sadd.s32 $0xFFFFE003, lr  }
0x1b: {  	s9 =	sadd.s32 $0xFFFFFEF7, lr;
	s5 =	simm.s32 $0xFFFFFFFF;
	p2 =	slt.u32 s8, $0xFFFFF086  }
0x1c: {  	p1 =	slt.u32 s9, $0xF7A;
	s5 =	simm.s32 @!p2 $0x0  }
0x1d: {  	s5 =	simm.s32 @p1 $0x1;
	p0 =	seq.s32 s7, s2  }
0x1e: {  	s7 =	smul.u32 @!p0 $0xF7A, s2;
	p2 =	seq.s32 @!p0 s5, $0x0  }
0x1f: {  	s9 =	smul.u32 $0xF7A, s1;
	s8 =	simm.s32 @!p0 $0x1BF5;
	p2 =	por !p2, p0  }
0x20: {  	[sflag:s8] =	ssyncset.s32 @!p0 $0xFFFFF086;
	s6 =	sadd.s32 @!p0 s3, s7;
	s7 =	simm.s32 @!p0 $0x108  }
0x21: {  	s3 =	sadd.s32 s3, s9;
	s6 =	sadd.s32 @!p0 $0x88, s6;
	s7 =	simm.s32 @p2 $0x1082  }
0x22: {  	[simem:s7], [sflag:s8] =	dma.local @!p0 [hbm:s6], $0xF7A  }
0x23: {  	s9 =	sor.u32 $0xD0000000, s2;
	s6 =	simm.s32 $0x108;
	_ =	swait.ge @!p0 [sflag:s8], $0x0  }
0x24: {  	s3 =	sadd.s32 $0x88, s3;
	s6 =	simm.s32 @!p1 $0x1082;
	[sflag:s4] =	ssyncset.s32 $0xFFFFF086  }
0x25: {  	[simem:s6], [sflag:s4] =	dma.local [hbm:s3], $0xF7A  }
0x26: {  	[smem:$0x3F9F] =	sst s1;
	(tag) =	ssettag s2;
	_ =	strace s9  }
0x27: {  	s1 =	sld [smem:$0x3FAF]  }
0x28: {  	s2 =	sld [smem:$0x3FB0]  }
0x29: {  	s4 =	sld [smem:$0x3FB2]  }
0x2a: {  	p0 =	seq.s32 s5, $0x0;
	s5 =	sld [smem:$0x3FB3]  }
0x2b: {  	s6 =	sld [smem:$0x3FB4]  }
0x2c: {  	s7 =	sld [smem:$0x3FB5]  }
0x2d: {  	s3 =	simm.s32 $0x108;
	s8 =	sld [smem:$0x3FB6]  }
0x2e: {  	s3 =	simm.s32 @!p0 $0x1082;
	s9 =	sld [smem:$0x3FB7]  }
0x2f: {  	lr =	sadd.s32 s0, s3;
	s0 =	sld [smem:$0x3FAE]  }
0x30: {  	s3 =	sld [smem:$0x3FB1]  }
0x31: {  	[smem:$0x3FBA] =	sst s10  }
0x32: {  	s10 =	sld [smem:$0x3FB8];
	_ =	sdelay $0x3  }
0x33: {  	p0 =	seq.s32 s10, $0x1;
	s10 =	sld [smem:$0x3FBA];
	_ =	sdelay $0x3  }
0x34: {  	[smem:$0x3FBA] =	sst s10  }
0x35: {  	s10 =	sld [smem:$0x3FB9];
	_ =	sdelay $0x3  }
0x36: {  	p1 =	seq.s32 s10, $0x1;
	s10 =	sld [smem:$0x3FBA];
	_ =	sdelay $0x3  }
0x37: {  	[smem:$0x3FBA] =	sst s10  }
0x38: {  	s10 =	sld [smem:$0x3FBB]  }
0x39: {  	_ = 	snop;
	(pc) =	sbr.ind lr, $3  }
0x3a: {  	_ = 	snop  }
0x3b: {  	_ = 	snop  }
0x3c: {  	p2 =	seq.s32 s10, $0x1;
	s10 =	sld [smem:$0x3FBA]  }
0x3d: {  	_ =	shalt  }
0x3e: {  	_ =	shalt  }
0x3f: {  	_ =	shalt  }
0x40: {  	_ =	shalt  }
0x41: {  	_ =	shalt  }
0x42: {  	_ =	shalt  }
0x43: {  	_ =	shalt  }
0x44: {  	_ =	shalt  }
0x45: {  	_ =	shalt  }
0x46: {  	_ =	shalt  }
0x47: {  	_ =	shalt  }
0x48: {  	_ =	shalt  }
0x49: {  	_ =	shalt  }
0x4a: {  	_ =	shalt  }
0x4b: {  	_ =	shalt  }
0x4c: {  	_ =	shalt  }
0x4d: {  	_ =	shalt  }
0x4e: {  	_ =	shalt  }
0x4f: {  	_ =	shalt  }
0x50: {  	_ =	shalt  }
0x51: {  	_ =	shalt  }
0x52: {  	_ =	shalt  }
0x53: {  	_ =	shalt  }
0x54: {  	_ =	shalt  }
0x55: {  	_ =	shalt  }
0x56: {  	_ =	shalt  }
0x57: {  	_ =	shalt  }
0x58: {  	_ =	shalt  }
0x59: {  	_ =	shalt  }
0x5a: {  	_ =	shalt  }
0x5b: {  	_ =	shalt  }
0x5c: {  	_ =	shalt  }
0x5d: {  	_ =	shalt  }
0x5e: {  	_ =	shalt  }
0x5f: {  	_ =	shalt  }
0x60: {  	_ =	shalt  }
0x61: {  	_ =	shalt  }
0x62: {  	_ =	shalt  }
0x63: {  	_ =	shalt  }
0x64: {  	_ =	shalt  }
0x65: {  	_ =	shalt  }
0x66: {  	_ =	shalt  }
0x67: {  	_ =	shalt  }
0x68: {  	_ =	shalt  }
0x69: {  	_ =	shalt  }
0x6a: {  	_ =	shalt  }
0x6b: {  	_ =	shalt  }
0x6c: {  	_ =	shalt  }
0x6d: {  	_ =	shalt  }
0x6e: {  	_ =	shalt  }
0x6f: {  	_ =	shalt  }
0x70: {  	_ =	shalt  }
0x71: {  	_ =	shalt  }
0x72: {  	_ =	shalt  }
0x73: {  	_ =	shalt  }
0x74: {  	_ =	shalt  }
0x75: {  	_ =	shalt  }
0x76: {  	_ =	shalt  }
0x77: {  	_ =	shalt  }
0x78: {  	_ =	shalt  }
0x79: {  	_ =	shalt  }
0x7a: {  	_ =	shalt  }
0x7b: {  	_ =	shalt  }
0x7c: {  	_ =	shalt  }
0x7d: {  	_ =	shalt  }
0x7e: {  	_ =	shalt  }
0x7f: {  	_ =	shalt  }
0x80: {  	_ =	shalt  }
0x81: {  	_ =	shalt  }
0x82: {  	_ =	shalt  }
0x83: {  	_ =	shalt  }
0x84: {  	_ =	shalt  }
0x85: {  	_ =	shalt  }
0x86: {  	_ =	shalt  }
0x87: {  	_ =	shalt  }
.Lfunc_end0:
.L_simem_size_0:
called_computation_lowered:
.L_overlay_start_0:
0x88: {  	s2 =	sld [smem:$0x3FD9]  }
0x89: {  	s3 =	sld [smem:$0x3FFE];
	_ =	sdelay $0x1  }
0x8a: {  	s1 =	srdreg.scid  }
0x8b: {  	s0 =	sand.u32 $0x1, s1  }
0x8c: {  	s17 =	sshll.u32 s0, $0xA;
	s2 =	sadd.s32 s3, s2  }
0x8d: {  	s2 =	sadd.s32 s2, s17  }
0x8e: {  	[smem:$0x3FC6] =	sst s2  }
0x8f: {  	_ = 	snop  }
0x90: {  	s2 =	sld [smem:$0x3FC8]  }
0x91: {  	s18 =	sld [smem:$0x3FD0];
	(tm) =	ssettm $0x1  }
0x92: {  	s4 =	sld [smem:$0x3FFB];
	_ =	sdelay $0x3  }
0x93: {  	_ =	strace s4  }
0x94: {  	s4 =	sld [smem:$0x3FFC];
	_ =	sdelay $0x3  }
0x95: {  	_ =	strace s4  }
0x96: {  	s4 =	sld [smem:$0x3FFD];
	_ =	sdelay $0x3  }
0x97: {  	_ =	strace s4  }
0x98: {  	_ =	strace $0x8FFFFFFF  }
0x99: {  	s19 =	sld [smem:$0x3FDB];
	_ =	sdelay $0x1  }
0x9a: {  	s5 =	simm.s32 $_scs_section_size  }
0x9b: {  	s6 =	simm.s32 $_size__tile_overlayer_lowered;
	s7 =	simm.s32 $_tile_overlayer_lowered  }
0x9c: {  	s22 =	simm.s32 $0x1BFF;
	s21 =	sshll.u32 s7, $0x1;
	s4 =	sadd.s32 s5, s19  }
0x9d: {  	s8 =	simm.s32 $0x0;
	s20 =	sshll.u32 s6, $0x1;
	s6 =	sadd.s32 s21, s4  }
0x9e: {  	[timem:s8], [sflag:s22] =	dma.local [hbm:s6], s20  }
0x9f: {  	_ =	swait.ge [sflag:s22], s20  }
0xa0: {  	s5 =	ssub.s32 $0x0, s20;
	[sflag:s22] =	ssyncset.done $0x0  }
0xa1: {  	[sflag:s22] =	ssyncadd.s32 s5;
	_ =	sdelay $0x1  }
0xa2: {  	s23 =	simm.s32 $0x1B8B  }
0xa3: {  	_ =	swait.ge [sflag:s23], $0x1  }
0xa4: {  	[sflag:s23] =	ssyncset.done $0x0  }
0xa5: {  	s25 =	simm.s32 $0x1B8E;
	s24 =	sld [smem:$0x3FFE];
	[sflag:s23] =	ssyncadd.s32 $0xFFFFFFFF  }
0xa6: {  	s26 =	simm.s32 $execute0_lowered;
	[smem:$0x3FD2] =	sst s25  }
0xa7: {  	s6 =	sshll.u32 s26, $0x1;
	_ =	strace $0x80000046;
	[dreg:$0x1] =	wrdreg $0xFFFFFFFF  }
0xa8: {  	s28 =	simm.s32 $_size_execute0_lowered;
	s4 =	sadd.s32 s4, s6;
	[dreg:$0x0] =	wrdreg $0x0  }
0xa9: {  	s6 =	sshll.u32 s28, $0x1;
	[dreg:$0x2] =	wrdreg s4  }
0xaa: {  	[dreg:$0x3] =	wrdreg s6  }
0xab: {  	[dreg:$0x4] =	wrdreg $0xC0  }
0xac: {  	_ =	task [dreg:s8], $0x5FFFF  }
0xad: {  	[dreg:$0x1] =	wrdreg $0xFFFFFFFF  }
0xae: {  	[dreg:$0x0] =	wrdreg $0x60  }
0xaf: {  	[dreg:$0x2] =	wrdreg s24  }
0xb0: {  	[dreg:$0x3] =	wrdreg s2  }
0xb1: {  	[dreg:$0x4] =	wrdreg s18  }
0xb2: {  	[dreg:$0x5] =	wrdreg $0x9  }
0xb3: {  	_ =	task.clear_ibuf [dreg:s8], $0x6FFFF;
	_ =	strace $0x90000046  }
0xb4: {  	s29 =	simm.s32 $0x9;
	_ =	strace $0x80000048  }
0xb5: {  	_ =	swait.ge [sflag:s29], $0x1  }
0xb6: {  	[sflag:s29] =	ssyncadd.s32 $0xFFFFFFFF  }
0xb7: {  	_ =	strace $0x90000048  }
0xb8: {  	_ =	sfence  }
0xb9: {  	s30 =	sld [smem:$0x0];
	_ =	sdelay $0x2  }
0xba: {  	s31 =	sshll.u32 s1, $0xD;
	s1 =	sshrl.u32 s1, $0x2  }
0xbb: {  	s3 =	sand.u32 $0x4000, s31;
	s1 =	sadd.s32 s1, s30  }
0xbc: {  	s0 =	sor.u32 s3, s0;
	s1 =	sshll.u32 s1, $0x11  }
0xbd: {  	s0 =	sor.u32 s1, s0  }
0xbe: {  	s0 =	sadd.s32 $0x8F2B, s0  }
0xbf: {  	[sflag:s0] =	ssyncadd.remote.s32 $0x1  }
0xc0: {  	_ =	sfence.sel $0xFFFF  }
0xc1: {  	[dreg:$0x0] =	wrdreg $0xFFFFFFFF;
	(pc) =	sbr.abs _section_cstart, $3  }
0xc2: {  	[dreg:$0x1] =	wrdreg $0xFFFFFFFF  }
0xc3: {  	_ =	task.clear_ibuf [dreg:s8], $0x2FFFF;
	_ =	strace $0x9FFFFFFF  }
0xc4: {  	(tm) =	ssettm $0x7FFFFFFF  }
0xc5: {  	_ =	shalt  }
tec
execute0_lowered:
.L_overlay_start_1:
0x0: {  	(tag) =	ssettag $0x1  }
0x1: {  	s0 =	rddreg [dreg:$0x0]  }
0x2: {  	s2 =	rddreg [dreg:$0x1]  }
0x3: {  	s1 =	rddreg [dreg:$0x2]  }
0x4: {  	s3 =	srdreg.scid;
	s9 =	stileid.u32;
	s31 =	simm.s32 $0x6000  }
0x5: {  	s28 =	simm.s32 $0xA800;
	s29 =	simm.s32 $0xC000;
	s30 =	simm.s32 $0xC800  }
0x6: {  	s4 =	sand.u32 $0x1, s3;
	s5 =	sshll.u32 s9, $0x1;
	s3 =	simm.s32 $0x0  }
0x7: {  	s9 =	sshll.u32 s9, $0x15;
	s6 =	sor.u32 s4, s5;
	s19 =	ssub.s32 $0x2, s4  }
0x8: {  	[smem:$0x7FF] =	sst s3;
	s5 =	sadd.s32 $0x100, s2;
	s4 =	sshll.u32 s4, $0x14  }
0x9: {  	s7 =	sshll.u32 s6, $0xB;
	s8 =	sshrl.u32 s19, $0x1;
	_ =	strace $0x80000047  }
0xa: {  	s20 =	sshll.u32 s6, $0x11;
	s6 =	sadd.s32 $0x200, s2;
	s4 =	sor.u32 s4, s9  }
0xb: {  	s0 =	sadd.s32 s7, s0;
	s8 =	ssub.s32 s19, s8;
	s7 =	sadd.s32 $0x300, s2  }
0xc: {  	s11 =	sor.u32 $0x2000, s4;
	s15 =	sor.u32 $0x4000, s4;
	s17 =	sor.u32 $0x6000, s4  }
0xd: {  	s18 =	sor.u32 $0x8000, s4;
	s0 =	sadd.s32 $0x400, s0;
	s13 =	sshrl.u32 s11, $0x3  }
0xe: {  	s16 =	sshrl.u32 s15, $0x3;
	s8 =	smax.u32 s8, $0x1;
	[dreg:$0xc] =	wrdreg s0  }
0xf: {  	s9 =	sshrl.u32 s17, $0x3;
	s14 =	sadd.s32 s13, s1;
	[dreg:$0x15] =	wrdreg s8  }
0x10: {  	s0 =	sadd.s32 s20, s1;
	s19 =	sadd.s32 s9, s1;
	[dreg:$0x5] =	wrdreg s14  }
0x11: {  	s11 =	simm.s32 $0x12800;
	s10 =	sadd.s32 $0x1E000, s0;
	[dreg:$0x7] =	wrdreg s19  }
0x12: {  	s15 =	simm.s32 $0x3;
	s21 =	sadd.s32 $0x1E400, s0;
	[dreg:$0xd] =	wrdreg s10  }
0x13: {  	s17 =	simm.s32 $0x4;
	s22 =	sadd.s32 $0x1E800, s0;
	[dreg:$0xe] =	wrdreg s21  }
0x14: {  	s20 =	sshrl.u32 s18, $0x3;
	s23 =	sadd.s32 $0x1EC00, s0;
	[dreg:$0xf] =	wrdreg s22  }
0x15: {  	s8 =	simm.s32 $0x6800;
	s24 =	sadd.s32 $0x1F000, s0;
	[dreg:$0x10] =	wrdreg s23  }
0x16: {  	s13 =	simm.s32 $0x0;
	s25 =	sadd.s32 $0x1F400, s0;
	[dreg:$0x11] =	wrdreg s24  }
0x17: {  	s26 =	sadd.s32 $0x1F800, s0;
	s0 =	sadd.s32 $0x1FC00, s0;
	[dreg:$0x12] =	wrdreg s25  }
0x18: {  	s19 =	simm.s32 $0x5;
	[dreg:$0x13] =	wrdreg s26;
	s10 =	sshrl.u32 s4, $0x3  }
0x19: {  	[dreg:$0x14] =	wrdreg s0;
	s0 =	sadd.s32 s16, s1;
	s21 =	sadd.s32 s20, s1  }
0x1a: {  	s22 =	sor.u32 $0xA000, s4;
	s24 =	sor.u32 $0xC000, s4;
	s4 =	sor.u32 $0xE000, s4  }
0x1b: {  	s16 =	simm.s32 $0x8800;
	s20 =	simm.s32 $0x6;
	[dreg:$0x6] =	wrdreg s0  }
0x1c: {  	s12 =	sadd.s32 s10, s1;
	[dreg:$0x8] =	wrdreg s21;
	s23 =	sshrl.u32 s22, $0x3  }
0x1d: {  	s9 =	sshrl.u32 s24, $0x3;
	s4 =	sshrl.u32 s4, $0x3;
	s22 =	simm.s32 $0x4000  }
0x1e: {  	s24 =	simm.s32 $0x5000;
	s21 =	simm.s32 $0xA000;
	s10 =	simm.s32 $0x12000  }
0x1f: {  	[dreg:$0x4] =	wrdreg s12;
	s0 =	sadd.s32 s23, s1;
	s25 =	sadd.s32 s9, s1  }
0x20: {  	s26 =	sadd.s32 s4, s1;
	s12 =	simm.s32 $0x8000;
	[dreg:$0x9] =	wrdreg s0  }
0x21: {  	v0 =	vlaneseq.u32;
	s1 =	simm.s32 $0xE800;
	s4 =	simm.s32 $0x10000;
	[dreg:$0xa] =	wrdreg s25  }
0x22: {  	v1 =	vshrl.u32 v0, $0x3;
	s9 =	simm.s32 $0x10800;
	s23 =	simm.s32 $0x7;
	[dreg:$0xb] =	wrdreg s26  }
0x23: {  	vm0 =	vmmov $0xffff;
	v0 =	vand.u32 $0x7, v0;
	v1 =	vmul.u32 $0x8, v1;
	s26 =	simm.s32 $0x4800;
	s25 =	simm.s32 $0x5800;
	s0 =	simm.s32 $0xE000  }
.LBB2_1:
0x24: {  	[dreg:$0x16] =	wrdreg s13  }
0x25: {  	s18 =	rddreg [dreg:$0xc];
	s14 =	simm.s32 $0x11  }
0x26: {  	[tilespmem:s3], [sflag:$0x11] =	stream.linear.gather [hbm4b:s18+s3], $0x4000, $0x38;
	[tilespmem:$0x14000] =	vst v63  }
0x27: {  	_ =	swait.ge [sflag:s14], $0x4000  }
0x28: {  	[sflag:s14] =	ssyncset.done $0x0  }
0x29: {  	[sflag:s14] =	ssyncadd.s32 $0xFFFFC000  }
0x2a: {  	v2 =	vld.msk [tilespmem:$0x0], $0xff;
	_ =	sdelay $0x4  }
0x2b: {  	v3 =	vshll.u32 v2, $0x3  }
0x2c: {  	v2 =	vand.u32 $0x7, v2;
	v3 =	vand.u32 $0xFFFFFFC0, v3  }
0x2d: {  	v2 =	vor.u32 v2, v3  }
0x2e: {  	v2 =	vperm.xlane v2, v0;
	_ =	sdelay $0x1  }
0x2f: {  	v2 =	vadd.s32 v1, v2;
	_ =	sdelay $0x4  }
0x30: {  	[tilespmem:s22], [sflag:$0x1] =	stream.indirect_vreg.gather [hbm4b:s2+s3], $0x80, v2, vm0, $0xb8;
	[tilespmem:$0x14000] =	vst v63  }
0x31: {  	_ = 	snop  }
0x32: {  	[tilespmem:s26], [sflag:$0x1] =	stream.indirect_vreg.gather [hbm4b:s5+s3], $0x80, v2, vm0, $0xb8;
	[tilespmem:$0x14000] =	vst v63  }
0x33: {  	_ = 	snop  }
0x34: {  	[tilespmem:s24], [sflag:$0x1] =	stream.indirect_vreg.gather [hbm4b:s6+s3], $0x80, v2, vm0, $0xb8;
	[tilespmem:$0x14000] =	vst v63  }
0x35: {  	_ = 	snop  }
0x36: {  	[tilespmem:s25], [sflag:$0x1] =	stream.indirect_vreg.gather [hbm4b:s7+s3], $0x80, v2, vm0, $0xb8;
	[tilespmem:$0x14000] =	vst v63  }
0x37: {  	v2 =	vld.msk [tilespmem:$0x80], $0xff;
	_ =	sdelay $0x4  }
0x38: {  	v3 =	vshll.u32 v2, $0x3  }
0x39: {  	v2 =	vand.u32 $0x7, v2;
	v3 =	vand.u32 $0xFFFFFFC0, v3  }
0x3a: {  	v2 =	vor.u32 v2, v3  }
0x3b: {  	v2 =	vperm.xlane v2, v0;
	_ =	sdelay $0x1  }
0x3c: {  	v2 =	vadd.s32 v1, v2;
	_ =	sdelay $0x4  }
0x3d: {  	[tilespmem:s31], [sflag:$0x2] =	stream.indirect_vreg.gather [hbm4b:s2+s3], $0x80, v2, vm0, $0xb8;
	[tilespmem:$0x14000] =	vst v63  }
0x3e: {  	_ = 	snop  }
0x3f: {  	[tilespmem:s8], [sflag:$0x2] =	stream.indirect_vreg.gather [hbm4b:s5+s3], $0x80, v2, vm0, $0xb8;
	[tilespmem:$0x14000] =	vst v63  }
0x40: {  	s31 =	simm.s32 $0x7000  }
0x41: {  	[tilespmem:s31], [sflag:$0x2] =	stream.indirect_vreg.gather [hbm4b:s6+s3], $0x80, v2, vm0, $0xb8;
	[tilespmem:$0x14000] =	vst v63  }
0x42: {  	s13 =	simm.s32 $0x7800  }
0x43: {  	[tilespmem:s13], [sflag:$0x2] =	stream.indirect_vreg.gather [hbm4b:s7+s3], $0x80, v2, vm0, $0xb8;
	[tilespmem:$0x14000] =	vst v63  }
0x44: {  	v2 =	vld.msk [tilespmem:$0x100], $0xff;
	_ =	sdelay $0x4  }
0x45: {  	v3 =	vshll.u32 v2, $0x3  }
0x46: {  	v2 =	vand.u32 $0x7, v2;
	v3 =	vand.u32 $0xFFFFFFC0, v3  }
0x47: {  	v2 =	vor.u32 v2, v3  }
0x48: {  	v2 =	vperm.xlane v2, v0;
	_ =	sdelay $0x1  }
0x49: {  	v2 =	vadd.s32 v1, v2;
	_ =	sdelay $0x4  }
0x4a: {  	[tilespmem:s12], [sflag:$0x3] =	stream.indirect_vreg.gather [hbm4b:s2+s3], $0x80, v2, vm0, $0xb8;
	[tilespmem:$0x14000] =	vst v63  }
0x4b: {  	_ = 	snop  }
0x4c: {  	[tilespmem:s16], [sflag:$0x3] =	stream.indirect_vreg.gather [hbm4b:s5+s3], $0x80, v2, vm0, $0xb8;
	[tilespmem:$0x14000] =	vst v63  }
0x4d: {  	s14 =	simm.s32 $0x9000  }
0x4e: {  	[tilespmem:s14], [sflag:$0x3] =	stream.indirect_vreg.gather [hbm4b:s6+s3], $0x80, v2, vm0, $0xb8;
	[tilespmem:$0x14000] =	vst v63  }
0x4f: {  	s16 =	simm.s32 $0x9800  }
0x50: {  	[tilespmem:s16], [sflag:$0x3] =	stream.indirect_vreg.gather [hbm4b:s7+s3], $0x80, v2, vm0, $0xb8;
	[tilespmem:$0x14000] =	vst v63  }
0x51: {  	v2 =	vld.msk [tilespmem:$0x180], $0xff;
	_ =	sdelay $0x4  }
0x52: {  	v3 =	vshll.u32 v2, $0x3  }
0x53: {  	v2 =	vand.u32 $0x7, v2;
	v3 =	vand.u32 $0xFFFFFFC0, v3  }
0x54: {  	v2 =	vor.u32 v2, v3  }
0x55: {  	v2 =	vperm.xlane v2, v0;
	_ =	sdelay $0x1  }
0x56: {  	v2 =	vadd.s32 v1, v2;
	_ =	sdelay $0x4  }
0x57: {  	[tilespmem:s21], [sflag:$0x4] =	stream.indirect_vreg.gather [hbm4b:s2+s3], $0x80, v2, vm0, $0xb8;
	[tilespmem:$0x14000] =	vst v63  }
0x58: {  	_ = 	snop  }
0x59: {  	[tilespmem:s28], [sflag:$0x4] =	stream.indirect_vreg.gather [hbm4b:s5+s3], $0x80, v2, vm0, $0xb8;
	[tilespmem:$0x14000] =	vst v63  }
0x5a: {  	s18 =	simm.s32 $0xB000  }
0x5b: {  	[tilespmem:s18], [sflag:$0x4] =	stream.indirect_vreg.gather [hbm4b:s6+s3], $0x80, v2, vm0, $0xb8;
	[tilespmem:$0x14000] =	vst v63  }
0x5c: {  	s21 =	simm.s32 $0xB800  }
0x5d: {  	[tilespmem:s21], [sflag:$0x4] =	stream.indirect_vreg.gather [hbm4b:s7+s3], $0x80, v2, vm0, $0xb8;
	[tilespmem:$0x14000] =	vst v63  }
0x5e: {  	v2 =	vld.msk [tilespmem:$0x200], $0xff;
	_ =	sdelay $0x4  }
0x5f: {  	v3 =	vshll.u32 v2, $0x3  }
0x60: {  	v2 =	vand.u32 $0x7, v2;
	v3 =	vand.u32 $0xFFFFFFC0, v3  }
0x61: {  	v2 =	vor.u32 v2, v3  }
0x62: {  	v2 =	vperm.xlane v2, v0;
	_ =	sdelay $0x1  }
0x63: {  	v2 =	vadd.s32 v1, v2;
	_ =	sdelay $0x4  }
0x64: {  	[tilespmem:s29], [sflag:$0x5] =	stream.indirect_vreg.gather [hbm4b:s2+s3], $0x80, v2, vm0, $0xb8;
	[tilespmem:$0x14000] =	vst v63  }
0x65: {  	_ = 	snop  }
0x66: {  	[tilespmem:s30], [sflag:$0x5] =	stream.indirect_vreg.gather [hbm4b:s5+s3], $0x80, v2, vm0, $0xb8;
	[tilespmem:$0x14000] =	vst v63  }
0x67: {  	s22 =	simm.s32 $0xD000  }
0x68: {  	[tilespmem:s22], [sflag:$0x5] =	stream.indirect_vreg.gather [hbm4b:s6+s3], $0x80, v2, vm0, $0xb8;
	[tilespmem:$0x14000] =	vst v63  }
0x69: {  	s24 =	simm.s32 $0xD800  }
0x6a: {  	[tilespmem:s24], [sflag:$0x5] =	stream.indirect_vreg.gather [hbm4b:s7+s3], $0x80, v2, vm0, $0xb8;
	[tilespmem:$0x14000] =	vst v63  }
0x6b: {  	v2 =	vld.msk [tilespmem:$0x280], $0xff;
	_ =	sdelay $0x4  }
0x6c: {  	v3 =	vshll.u32 v2, $0x3  }
0x6d: {  	v2 =	vand.u32 $0x7, v2;
	v3 =	vand.u32 $0xFFFFFFC0, v3  }
0x6e: {  	v2 =	vor.u32 v2, v3  }
0x6f: {  	v2 =	vperm.xlane v2, v0;
	_ =	sdelay $0x1  }
0x70: {  	v2 =	vadd.s32 v1, v2;
	_ =	sdelay $0x4  }
0x71: {  	[tilespmem:s0], [sflag:$0x6] =	stream.indirect_vreg.gather [hbm4b:s2+s3], $0x80, v2, vm0, $0xb8;
	[tilespmem:$0x14000] =	vst v63  }
0x72: {  	_ = 	snop  }
0x73: {  	[tilespmem:s1], [sflag:$0x6] =	stream.indirect_vreg.gather [hbm4b:s5+s3], $0x80, v2, vm0, $0xb8;
	[tilespmem:$0x14000] =	vst v63  }
0x74: {  	s25 =	simm.s32 $0xF000  }
0x75: {  	[tilespmem:s25], [sflag:$0x6] =	stream.indirect_vreg.gather [hbm4b:s6+s3], $0x80, v2, vm0, $0xb8;
	[tilespmem:$0x14000] =	vst v63  }
0x76: {  	s26 =	simm.s32 $0xF800  }
0x77: {  	[tilespmem:s26], [sflag:$0x6] =	stream.indirect_vreg.gather [hbm4b:s7+s3], $0x80, v2, vm0, $0xb8;
	[tilespmem:$0x14000] =	vst v63  }
0x78: {  	v2 =	vld.msk [tilespmem:$0x300], $0xff;
	_ =	sdelay $0x4  }
0x79: {  	v3 =	vshll.u32 v2, $0x3  }
0x7a: {  	v2 =	vand.u32 $0x7, v2;
	v3 =	vand.u32 $0xFFFFFFC0, v3  }
0x7b: {  	v2 =	vor.u32 v2, v3  }
0x7c: {  	v2 =	vperm.xlane v2, v0;
	_ =	sdelay $0x1  }
0x7d: {  	v2 =	vadd.s32 v1, v2;
	_ =	sdelay $0x4  }
0x7e: {  	[tilespmem:s4], [sflag:$0x7] =	stream.indirect_vreg.gather [hbm4b:s2+s3], $0x80, v2, vm0, $0xb8;
	[tilespmem:$0x14000] =	vst v63  }
0x7f: {  	_ = 	snop  }
0x80: {  	[tilespmem:s9], [sflag:$0x7] =	stream.indirect_vreg.gather [hbm4b:s5+s3], $0x80, v2, vm0, $0xb8;
	[tilespmem:$0x14000] =	vst v63  }
0x81: {  	s28 =	simm.s32 $0x11000  }
0x82: {  	[tilespmem:s28], [sflag:$0x7] =	stream.indirect_vreg.gather [hbm4b:s6+s3], $0x80, v2, vm0, $0xb8;
	[tilespmem:$0x14000] =	vst v63  }
0x83: {  	s29 =	simm.s32 $0x11800  }
0x84: {  	[tilespmem:s29], [sflag:$0x7] =	stream.indirect_vreg.gather [hbm4b:s7+s3], $0x80, v2, vm0, $0xb8;
	[tilespmem:$0x14000] =	vst v63  }
0x85: {  	v2 =	vld.msk [tilespmem:$0x380], $0xff;
	_ =	sdelay $0x4  }
0x86: {  	v3 =	vshll.u32 v2, $0x3  }
0x87: {  	v2 =	vand.u32 $0x7, v2;
	v3 =	vand.u32 $0xFFFFFFC0, v3  }
0x88: {  	v2 =	vor.u32 v2, v3  }
0x89: {  	v2 =	vperm.xlane v2, v0;
	_ =	sdelay $0x1  }
0x8a: {  	v2 =	vadd.s32 v1, v2;
	_ =	sdelay $0x4  }
0x8b: {  	[tilespmem:s10], [sflag:$0x8] =	stream.indirect_vreg.gather [hbm4b:s2+s3], $0x80, v2, vm0, $0xb8;
	[tilespmem:$0x14000] =	vst v63  }
0x8c: {  	_ = 	snop  }
0x8d: {  	[tilespmem:s11], [sflag:$0x8] =	stream.indirect_vreg.gather [hbm4b:s5+s3], $0x80, v2, vm0, $0xb8;
	[tilespmem:$0x14000] =	vst v63  }
0x8e: {  	s31 =	simm.s32 $0x13800;
	s13 =	simm.s32 $0x1;
	s30 =	simm.s32 $0x13000  }
0x8f: {  	[tilespmem:s30], [sflag:$0x8] =	stream.indirect_vreg.gather [hbm4b:s6+s3], $0x80, v2, vm0, $0xb8;
	[tilespmem:$0x14000] =	vst v63  }
0x90: {  	s14 =	simm.s32 $0x2;
	s24 =	simm.s32 $0x780;
	s25 =	simm.s32 $0x0  }
0x91: {  	[tilespmem:s31], [sflag:$0x8] =	stream.indirect_vreg.gather [hbm4b:s7+s3], $0x80, v2, vm0, $0xb8;
	[tilespmem:$0x14000] =	vst v63  }
.LBB2_2:
0x92: {  	_ =	swait.ge [sflag:s13], $0x2000  }
0x93: {  	s18 =	rddreg [dreg:$0x4];
	[sflag:s13] =	ssyncset.done $0x0  }
0x94: {  	s26 =	simm.s32 $0x4000;
	[sflag:s13] =	ssyncadd.s32 $0xFFFFE000;
	s18 =	sadd.s32 s25, s18  }
0x95: {  	[hbm4b:s18+s3] =	stream.linear.scatter [tilespmem:s26], [sflag:$0x9], $0x2000, $0x38;
	[tilespmem:$0x14000] =	vst v63  }
0x96: {  	_ =	swait.ge [sflag:s14], $0x2000  }
0x97: {  	s22 =	rddreg [dreg:$0x5];
	[sflag:s14] =	ssyncset.done $0x0  }
0x98: {  	s8 =	simm.s32 $0x6000;
	[sflag:s14] =	ssyncadd.s32 $0xFFFFE000;
	s18 =	sadd.s32 s25, s22  }
0x99: {  	[hbm4b:s18+s3] =	stream.linear.scatter [tilespmem:s8], [sflag:$0xA], $0x2000, $0x38;
	[tilespmem:$0x14000] =	vst v63  }
0x9a: {  	_ =	swait.ge [sflag:s15], $0x2000  }
0x9b: {  	s0 =	rddreg [dreg:$0x6];
	[sflag:s15] =	ssyncset.done $0x0  }
0x9c: {  	s16 =	simm.s32 $0x8000;
	[sflag:s15] =	ssyncadd.s32 $0xFFFFE000;
	s18 =	sadd.s32 s25, s0  }
0x9d: {  	[hbm4b:s18+s3] =	stream.linear.scatter [tilespmem:s16], [sflag:$0xB], $0x2000, $0x38;
	[tilespmem:$0x14000] =	vst v63  }
0x9e: {  	_ =	swait.ge [sflag:s17], $0x2000  }
0x9f: {  	s1 =	rddreg [dreg:$0x7];
	[sflag:s17] =	ssyncset.done $0x0  }
0xa0: {  	s28 =	simm.s32 $0xA000;
	[sflag:s17] =	ssyncadd.s32 $0xFFFFE000;
	s18 =	sadd.s32 s25, s1  }
0xa1: {  	[hbm4b:s18+s3] =	stream.linear.scatter [tilespmem:s28], [sflag:$0xC], $0x2000, $0x38;
	[tilespmem:$0x14000] =	vst v63  }
0xa2: {  	_ =	swait.ge [sflag:s19], $0x2000  }
0xa3: {  	s4 =	rddreg [dreg:$0x8];
	[sflag:s19] =	ssyncset.done $0x0  }
0xa4: {  	s30 =	simm.s32 $0xC000;
	[sflag:s19] =	ssyncadd.s32 $0xFFFFE000;
	s18 =	sadd.s32 s25, s4  }
0xa5: {  	[hbm4b:s18+s3] =	stream.linear.scatter [tilespmem:s30], [sflag:$0xD], $0x2000, $0x38;
	[tilespmem:$0x14000] =	vst v63  }
0xa6: {  	_ =	swait.ge [sflag:s20], $0x2000  }
0xa7: {  	s9 =	rddreg [dreg:$0x9];
	[sflag:s20] =	ssyncset.done $0x0  }
0xa8: {  	s1 =	simm.s32 $0xE000;
	[sflag:s20] =	ssyncadd.s32 $0xFFFFE000;
	s18 =	sadd.s32 s25, s9  }
0xa9: {  	[hbm4b:s18+s3] =	stream.linear.scatter [tilespmem:s1], [sflag:$0xE], $0x2000, $0x38;
	[tilespmem:$0x14000] =	vst v63  }
0xaa: {  	_ =	swait.ge [sflag:s23], $0x2000  }
0xab: {  	s0 =	simm.s32 $0x8;
	s10 =	rddreg [dreg:$0xa];
	[sflag:s23] =	ssyncset.done $0x0  }
0xac: {  	s9 =	simm.s32 $0x10000;
	[sflag:s23] =	ssyncadd.s32 $0xFFFFE000;
	s18 =	sadd.s32 s25, s10  }
0xad: {  	[hbm4b:s18+s3] =	stream.linear.scatter [tilespmem:s9], [sflag:$0xF], $0x2000, $0x38;
	[tilespmem:$0x14000] =	vst v63  }
0xae: {  	_ =	swait.ge [sflag:s0], $0x2000  }
0xaf: {  	s12 =	simm.s32 $0x9;
	s11 =	rddreg [dreg:$0xb];
	[sflag:s0] =	ssyncset.done $0x0  }
0xb0: {  	[sflag:s0] =	ssyncadd.s32 $0xFFFFE000;
	s18 =	sadd.s32 s25, s11;
	s11 =	simm.s32 $0x12000  }
0xb1: {  	[hbm4b:s18+s3] =	stream.linear.scatter [tilespmem:s11], [sflag:$0x10], $0x2000, $0x38;
	[tilespmem:$0x14000] =	vst v63  }
0xb2: {  	_ =	swait.ge [sflag:s12], $0x2000  }
0xb3: {  	[sflag:s12] =	ssyncset.done $0x0  }
0xb4: {  	[sflag:s12] =	ssyncadd.s32 $0xFFFFE000  }
0xb5: {  	v2 =	vld.msk [tilespmem:s24+$0xFFFFFC80], $0xff;
	_ =	sdelay $0x4  }
0xb6: {  	v3 =	vshll.u32 v2, $0x3  }
0xb7: {  	v2 =	vand.u32 $0x7, v2;
	v3 =	vand.u32 $0xFFFFFFC0, v3  }
0xb8: {  	v2 =	vor.u32 v2, v3  }
0xb9: {  	v2 =	vperm.xlane v2, v0;
	_ =	sdelay $0x1  }
0xba: {  	v2 =	vadd.s32 v1, v2;
	_ =	sdelay $0x4  }
0xbb: {  	[tilespmem:s26], [sflag:$0x1] =	stream.indirect_vreg.gather [hbm4b:s2+s3], $0x80, v2, vm0, $0xb8;
	[tilespmem:$0x14000] =	vst v63  }
0xbc: {  	s26 =	simm.s32 $0x4800  }
0xbd: {  	[tilespmem:s26], [sflag:$0x1] =	stream.indirect_vreg.gather [hbm4b:s5+s3], $0x80, v2, vm0, $0xb8;
	[tilespmem:$0x14000] =	vst v63  }
0xbe: {  	s18 =	simm.s32 $0x5000  }
0xbf: {  	[tilespmem:s18], [sflag:$0x1] =	stream.indirect_vreg.gather [hbm4b:s6+s3], $0x80, v2, vm0, $0xb8;
	[tilespmem:$0x14000] =	vst v63  }
0xc0: {  	s21 =	simm.s32 $0x5800;
	s4 =	simm.s32 $0xA  }
0xc1: {  	[tilespmem:s21], [sflag:$0x1] =	stream.indirect_vreg.gather [hbm4b:s7+s3], $0x80, v2, vm0, $0xb8;
	[tilespmem:$0x14000] =	vst v63  }
0xc2: {  	_ =	swait.ge [sflag:s4], $0x2000  }
0xc3: {  	[sflag:s4] =	ssyncset.done $0x0  }
0xc4: {  	[sflag:s4] =	ssyncadd.s32 $0xFFFFE000  }
0xc5: {  	v2 =	vld.msk [tilespmem:s24+$0xFFFFFD00], $0xff;
	_ =	sdelay $0x4  }
0xc6: {  	v3 =	vshll.u32 v2, $0x3  }
0xc7: {  	v2 =	vand.u32 $0x7, v2;
	v3 =	vand.u32 $0xFFFFFFC0, v3  }
0xc8: {  	v2 =	vor.u32 v2, v3  }
0xc9: {  	v2 =	vperm.xlane v2, v0;
	_ =	sdelay $0x1  }
0xca: {  	v2 =	vadd.s32 v1, v2;
	_ =	sdelay $0x4  }
0xcb: {  	[tilespmem:s8], [sflag:$0x2] =	stream.indirect_vreg.gather [hbm4b:s2+s3], $0x80, v2, vm0, $0xb8;
	[tilespmem:$0x14000] =	vst v63  }
0xcc: {  	s8 =	simm.s32 $0x6800  }
0xcd: {  	[tilespmem:s8], [sflag:$0x2] =	stream.indirect_vreg.gather [hbm4b:s5+s3], $0x80, v2, vm0, $0xb8;
	[tilespmem:$0x14000] =	vst v63  }
0xce: {  	s10 =	simm.s32 $0x7000  }
0xcf: {  	[tilespmem:s10], [sflag:$0x2] =	stream.indirect_vreg.gather [hbm4b:s6+s3], $0x80, v2, vm0, $0xb8;
	[tilespmem:$0x14000] =	vst v63  }
0xd0: {  	s12 =	simm.s32 $0x7800;
	s18 =	simm.s32 $0xB  }
0xd1: {  	[tilespmem:s12], [sflag:$0x2] =	stream.indirect_vreg.gather [hbm4b:s7+s3], $0x80, v2, vm0, $0xb8;
	[tilespmem:$0x14000] =	vst v63  }
0xd2: {  	_ =	swait.ge [sflag:s18], $0x2000  }
0xd3: {  	[sflag:s18] =	ssyncset.done $0x0  }
0xd4: {  	[sflag:s18] =	ssyncadd.s32 $0xFFFFE000  }
0xd5: {  	v2 =	vld.msk [tilespmem:s24+$0xFFFFFD80], $0xff;
	_ =	sdelay $0x4  }
0xd6: {  	v3 =	vshll.u32 v2, $0x3  }
0xd7: {  	v2 =	vand.u32 $0x7, v2;
	v3 =	vand.u32 $0xFFFFFFC0, v3  }
0xd8: {  	v2 =	vor.u32 v2, v3  }
0xd9: {  	v2 =	vperm.xlane v2, v0;
	_ =	sdelay $0x1  }
0xda: {  	v2 =	vadd.s32 v1, v2;
	_ =	sdelay $0x4  }
0xdb: {  	[tilespmem:s16], [sflag:$0x3] =	stream.indirect_vreg.gather [hbm4b:s2+s3], $0x80, v2, vm0, $0xb8;
	[tilespmem:$0x14000] =	vst v63  }
0xdc: {  	s16 =	simm.s32 $0x8800  }
0xdd: {  	[tilespmem:s16], [sflag:$0x3] =	stream.indirect_vreg.gather [hbm4b:s5+s3], $0x80, v2, vm0, $0xb8;
	[tilespmem:$0x14000] =	vst v63  }
0xde: {  	s21 =	simm.s32 $0x9000  }
0xdf: {  	[tilespmem:s21], [sflag:$0x3] =	stream.indirect_vreg.gather [hbm4b:s6+s3], $0x80, v2, vm0, $0xb8;
	[tilespmem:$0x14000] =	vst v63  }
0xe0: {  	s4 =	simm.s32 $0x9800;
	s10 =	simm.s32 $0xC  }
0xe1: {  	[tilespmem:s4], [sflag:$0x3] =	stream.indirect_vreg.gather [hbm4b:s7+s3], $0x80, v2, vm0, $0xb8;
	[tilespmem:$0x14000] =	vst v63  }
0xe2: {  	_ =	swait.ge [sflag:s10], $0x2000  }
0xe3: {  	[sflag:s10] =	ssyncset.done $0x0  }
0xe4: {  	[sflag:s10] =	ssyncadd.s32 $0xFFFFE000  }
0xe5: {  	v2 =	vld.msk [tilespmem:s24+$0xFFFFFE00], $0xff;
	_ =	sdelay $0x4  }
0xe6: {  	v3 =	vshll.u32 v2, $0x3  }
0xe7: {  	v2 =	vand.u32 $0x7, v2;
	v3 =	vand.u32 $0xFFFFFFC0, v3  }
0xe8: {  	v2 =	vor.u32 v2, v3  }
0xe9: {  	v2 =	vperm.xlane v2, v0;
	_ =	sdelay $0x1  }
0xea: {  	v2 =	vadd.s32 v1, v2;
	_ =	sdelay $0x4  }
0xeb: {  	[tilespmem:s28], [sflag:$0x4] =	stream.indirect_vreg.gather [hbm4b:s2+s3], $0x80, v2, vm0, $0xb8;
	[tilespmem:$0x14000] =	vst v63  }
0xec: {  	s28 =	simm.s32 $0xA800  }
0xed: {  	[tilespmem:s28], [sflag:$0x4] =	stream.indirect_vreg.gather [hbm4b:s5+s3], $0x80, v2, vm0, $0xb8;
	[tilespmem:$0x14000] =	vst v63  }
0xee: {  	s18 =	simm.s32 $0xB000  }
0xef: {  	[tilespmem:s18], [sflag:$0x4] =	stream.indirect_vreg.gather [hbm4b:s6+s3], $0x80, v2, vm0, $0xb8;
	[tilespmem:$0x14000] =	vst v63  }
0xf0: {  	s4 =	simm.s32 $0xB800;
	s10 =	simm.s32 $0xD  }
0xf1: {  	[tilespmem:s4], [sflag:$0x4] =	stream.indirect_vreg.gather [hbm4b:s7+s3], $0x80, v2, vm0, $0xb8;
	[tilespmem:$0x14000] =	vst v63  }
0xf2: {  	_ =	swait.ge [sflag:s10], $0x2000  }
0xf3: {  	[sflag:s10] =	ssyncset.done $0x0  }
0xf4: {  	[sflag:s10] =	ssyncadd.s32 $0xFFFFE000  }
0xf5: {  	v2 =	vld.msk [tilespmem:s24+$0xFFFFFE80], $0xff;
	_ =	sdelay $0x4  }
0xf6: {  	v3 =	vshll.u32 v2, $0x3  }
0xf7: {  	v2 =	vand.u32 $0x7, v2;
	v3 =	vand.u32 $0xFFFFFFC0, v3  }
0xf8: {  	v2 =	vor.u32 v2, v3  }
0xf9: {  	v2 =	vperm.xlane v2, v0;
	_ =	sdelay $0x1  }
0xfa: {  	v2 =	vadd.s32 v1, v2;
	_ =	sdelay $0x4  }
0xfb: {  	[tilespmem:s30], [sflag:$0x5] =	stream.indirect_vreg.gather [hbm4b:s2+s3], $0x80, v2, vm0, $0xb8;
	[tilespmem:$0x14000] =	vst v63  }
0xfc: {  	s30 =	simm.s32 $0xC800  }
0xfd: {  	[tilespmem:s30], [sflag:$0x5] =	stream.indirect_vreg.gather [hbm4b:s5+s3], $0x80, v2, vm0, $0xb8;
	[tilespmem:$0x14000] =	vst v63  }
0xfe: {  	s18 =	simm.s32 $0xD000  }
0xff: {  	[tilespmem:s18], [sflag:$0x5] =	stream.indirect_vreg.gather [hbm4b:s6+s3], $0x80, v2, vm0, $0xb8;
	[tilespmem:$0x14000] =	vst v63  }
0x100: {  	s4 =	simm.s32 $0xD800;
	s10 =	simm.s32 $0xE  }
0x101: {  	[tilespmem:s4], [sflag:$0x5] =	stream.indirect_vreg.gather [hbm4b:s7+s3], $0x80, v2, vm0, $0xb8;
	[tilespmem:$0x14000] =	vst v63  }
0x102: {  	_ =	swait.ge [sflag:s10], $0x2000  }
0x103: {  	[sflag:s10] =	ssyncset.done $0x0  }
0x104: {  	[sflag:s10] =	ssyncadd.s32 $0xFFFFE000  }
0x105: {  	v2 =	vld.msk [tilespmem:s24+$0xFFFFFF00], $0xff;
	_ =	sdelay $0x4  }
0x106: {  	v3 =	vshll.u32 v2, $0x3  }
0x107: {  	v2 =	vand.u32 $0x7, v2;
	v3 =	vand.u32 $0xFFFFFFC0, v3  }
0x108: {  	v2 =	vor.u32 v2, v3  }
0x109: {  	v2 =	vperm.xlane v2, v0;
	_ =	sdelay $0x1  }
0x10a: {  	v2 =	vadd.s32 v1, v2;
	_ =	sdelay $0x4  }
0x10b: {  	[tilespmem:s1], [sflag:$0x6] =	stream.indirect_vreg.gather [hbm4b:s2+s3], $0x80, v2, vm0, $0xb8;
	[tilespmem:$0x14000] =	vst v63  }
0x10c: {  	s1 =	simm.s32 $0xE800  }
0x10d: {  	[tilespmem:s1], [sflag:$0x6] =	stream.indirect_vreg.gather [hbm4b:s5+s3], $0x80, v2, vm0, $0xb8;
	[tilespmem:$0x14000] =	vst v63  }
0x10e: {  	s4 =	simm.s32 $0xF000  }
0x10f: {  	[tilespmem:s4], [sflag:$0x6] =	stream.indirect_vreg.gather [hbm4b:s6+s3], $0x80, v2, vm0, $0xb8;
	[tilespmem:$0x14000] =	vst v63  }
0x110: {  	s18 =	simm.s32 $0xF800;
	s10 =	simm.s32 $0xF  }
0x111: {  	[tilespmem:s18], [sflag:$0x6] =	stream.indirect_vreg.gather [hbm4b:s7+s3], $0x80, v2, vm0, $0xb8;
	[tilespmem:$0x14000] =	vst v63  }
0x112: {  	_ =	swait.ge [sflag:s10], $0x2000  }
0x113: {  	[sflag:s10] =	ssyncset.done $0x0  }
0x114: {  	[sflag:s10] =	ssyncadd.s32 $0xFFFFE000  }
0x115: {  	v2 =	vld.msk [tilespmem:s24+$0xFFFFFF80], $0xff;
	_ =	sdelay $0x4  }
0x116: {  	v3 =	vshll.u32 v2, $0x3  }
0x117: {  	v2 =	vand.u32 $0x7, v2;
	v3 =	vand.u32 $0xFFFFFFC0, v3  }
0x118: {  	v2 =	vor.u32 v2, v3  }
0x119: {  	v2 =	vperm.xlane v2, v0;
	_ =	sdelay $0x1  }
0x11a: {  	v2 =	vadd.s32 v1, v2;
	_ =	sdelay $0x4  }
0x11b: {  	[tilespmem:s9], [sflag:$0x7] =	stream.indirect_vreg.gather [hbm4b:s2+s3], $0x80, v2, vm0, $0xb8;
	[tilespmem:$0x14000] =	vst v63  }
0x11c: {  	s9 =	simm.s32 $0x10800  }
0x11d: {  	[tilespmem:s9], [sflag:$0x7] =	stream.indirect_vreg.gather [hbm4b:s5+s3], $0x80, v2, vm0, $0xb8;
	[tilespmem:$0x14000] =	vst v63  }
0x11e: {  	s10 =	simm.s32 $0x11000  }
0x11f: {  	[tilespmem:s10], [sflag:$0x7] =	stream.indirect_vreg.gather [hbm4b:s6+s3], $0x80, v2, vm0, $0xb8;
	[tilespmem:$0x14000] =	vst v63  }
0x120: {  	s18 =	simm.s32 $0x11800  }
0x121: {  	[tilespmem:s18], [sflag:$0x7] =	stream.indirect_vreg.gather [hbm4b:s7+s3], $0x80, v2, vm0, $0xb8;
	[tilespmem:$0x14000] =	vst v63  }
0x122: {  	s18 =	simm.s32 $0x10  }
0x123: {  	_ =	swait.ge [sflag:s18], $0x2000  }
0x124: {  	[sflag:s18] =	ssyncset.done $0x0  }
0x125: {  	[sflag:s18] =	ssyncadd.s32 $0xFFFFE000  }
0x126: {  	v2 =	vld.msk [tilespmem:s24+$0x0], $0xff;
	_ =	sdelay $0x4  }
0x127: {  	v3 =	vshll.u32 v2, $0x3  }
0x128: {  	v2 =	vand.u32 $0x7, v2;
	v3 =	vand.u32 $0xFFFFFFC0, v3  }
0x129: {  	v2 =	vor.u32 v2, v3  }
0x12a: {  	v2 =	vperm.xlane v2, v0;
	_ =	sdelay $0x1  }
0x12b: {  	v2 =	vadd.s32 v1, v2;
	_ =	sdelay $0x3  }
0x12c: {  	s31 =	simm.s32 $0x6000;
	s29 =	simm.s32 $0xC000;
	p0 =	sne.s32 s25, $0x1C000  }
0x12d: {  	[tilespmem:s11], [sflag:$0x8] =	stream.indirect_vreg.gather [hbm4b:s2+s3], $0x80, v2, vm0, $0xb8;
	[tilespmem:$0x14000] =	vst v63  }
0x12e: {  	s22 =	simm.s32 $0x4000;
	s0 =	simm.s32 $0xE000;
	s11 =	simm.s32 $0x12800  }
0x12f: {  	[tilespmem:s11], [sflag:$0x8] =	stream.indirect_vreg.gather [hbm4b:s5+s3], $0x80, v2, vm0, $0xb8;
	[tilespmem:$0x14000] =	vst v63  }
.Ltmp0:
0x130: {  	s25 =	sadd.s32 $0x2000, s25;
	s12 =	simm.s32 $0x8000;
	(pc) =	sbr.rel @p0 .LBB2_2-.Ltmp0, $4  }
0x131: {  	s21 =	simm.s32 $0xA000;
	s4 =	simm.s32 $0x10000;
	s18 =	simm.s32 $0x13000  }
0x132: {  	[tilespmem:s18], [sflag:$0x8] =	stream.indirect_vreg.gather [hbm4b:s6+s3], $0x80, v2, vm0, $0xb8;
	[tilespmem:$0x14000] =	vst v63  }
0x133: {  	s10 =	simm.s32 $0x12000;
	s24 =	sadd.s32 $0x400, s24;
	s18 =	simm.s32 $0x13800  }
0x134: {  	[tilespmem:s18], [sflag:$0x8] =	stream.indirect_vreg.gather [hbm4b:s7+s3], $0x80, v2, vm0, $0xb8;
	[tilespmem:$0x14000] =	vst v63  }
0x135: {  	_ =	swait.ge [sflag:s13], $0x2000  }
0x136: {  	[sflag:s13] =	ssyncset.done $0x0  }
0x137: {  	s18 =	rddreg [dreg:$0xd];
	[sflag:s13] =	ssyncadd.s32 $0xFFFFE000  }
0x138: {  	[hbm4b:s18+s3] =	stream.linear.scatter [tilespmem:s22], [sflag:$0x9], $0x2000, $0x38;
	[tilespmem:$0x14000] =	vst v63  }
0x139: {  	_ =	swait.ge [sflag:s14], $0x2000  }
0x13a: {  	[sflag:s14] =	ssyncset.done $0x0  }
0x13b: {  	s13 =	rddreg [dreg:$0xe];
	[sflag:s14] =	ssyncadd.s32 $0xFFFFE000  }
0x13c: {  	[hbm4b:s13+s3] =	stream.linear.scatter [tilespmem:s31], [sflag:$0xA], $0x2000, $0x38;
	[tilespmem:$0x14000] =	vst v63  }
0x13d: {  	_ =	swait.ge [sflag:s15], $0x2000  }
0x13e: {  	[sflag:s15] =	ssyncset.done $0x0  }
0x13f: {  	s14 =	rddreg [dreg:$0xf];
	[sflag:s15] =	ssyncadd.s32 $0xFFFFE000  }
0x140: {  	[hbm4b:s14+s3] =	stream.linear.scatter [tilespmem:s12], [sflag:$0xB], $0x2000, $0x38;
	[tilespmem:$0x14000] =	vst v63  }
0x141: {  	_ =	swait.ge [sflag:s17], $0x2000  }
0x142: {  	[sflag:s17] =	ssyncset.done $0x0  }
0x143: {  	s24 =	rddreg [dreg:$0x10];
	[sflag:s17] =	ssyncadd.s32 $0xFFFFE000  }
0x144: {  	[hbm4b:s24+s3] =	stream.linear.scatter [tilespmem:s21], [sflag:$0xC], $0x2000, $0x38;
	[tilespmem:$0x14000] =	vst v63  }
0x145: {  	_ =	swait.ge [sflag:s19], $0x2000  }
0x146: {  	[sflag:s19] =	ssyncset.done $0x0  }
0x147: {  	s25 =	rddreg [dreg:$0x11];
	[sflag:s19] =	ssyncadd.s32 $0xFFFFE000  }
0x148: {  	[hbm4b:s25+s3] =	stream.linear.scatter [tilespmem:s29], [sflag:$0xD], $0x2000, $0x38;
	[tilespmem:$0x14000] =	vst v63  }
0x149: {  	_ =	swait.ge [sflag:s20], $0x2000  }
0x14a: {  	[sflag:s20] =	ssyncset.done $0x0  }
0x14b: {  	s13 =	rddreg [dreg:$0x12];
	[sflag:s20] =	ssyncadd.s32 $0xFFFFE000  }
0x14c: {  	[hbm4b:s13+s3] =	stream.linear.scatter [tilespmem:s0], [sflag:$0xE], $0x2000, $0x38;
	[tilespmem:$0x14000] =	vst v63  }
0x14d: {  	_ =	swait.ge [sflag:s23], $0x2000  }
0x14e: {  	[sflag:s23] =	ssyncset.done $0x0  }
0x14f: {  	s18 =	simm.s32 $0x8;
	s14 =	rddreg [dreg:$0x13];
	[sflag:s23] =	ssyncadd.s32 $0xFFFFE000  }
0x150: {  	[hbm4b:s14+s3] =	stream.linear.scatter [tilespmem:s4], [sflag:$0xF], $0x2000, $0x38;
	[tilespmem:$0x14000] =	vst v63  }
0x151: {  	_ =	swait.ge [sflag:s18], $0x2000  }
0x152: {  	[sflag:s18] =	ssyncset.done $0x0  }
0x153: {  	s25 =	simm.s32 $0x9;
	s24 =	rddreg [dreg:$0x14];
	[sflag:s18] =	ssyncadd.s32 $0xFFFFE000  }
0x154: {  	[hbm4b:s24+s3] =	stream.linear.scatter [tilespmem:s10], [sflag:$0x10], $0x2000, $0x38;
	[tilespmem:$0x14000] =	vst v63  }
0x155: {  	_ =	swait.ge [sflag:s25], $0x2000  }
0x156: {  	[sflag:s25] =	ssyncset.done $0x0  }
0x157: {  	s14 =	simm.s32 $0xA;
	[sflag:s25] =	ssyncadd.s32 $0xFFFFE000  }
0x158: {  	_ =	swait.ge [sflag:s14], $0x2000  }
0x159: {  	[sflag:s14] =	ssyncset.done $0x0  }
0x15a: {  	s18 =	simm.s32 $0xB;
	[sflag:s14] =	ssyncadd.s32 $0xFFFFE000  }
0x15b: {  	_ =	swait.ge [sflag:s18], $0x2000  }
0x15c: {  	[sflag:s18] =	ssyncset.done $0x0  }
0x15d: {  	s24 =	simm.s32 $0xC;
	[sflag:s18] =	ssyncadd.s32 $0xFFFFE000  }
0x15e: {  	_ =	swait.ge [sflag:s24], $0x2000  }
0x15f: {  	[sflag:s24] =	ssyncset.done $0x0  }
0x160: {  	s25 =	simm.s32 $0xD;
	[sflag:s24] =	ssyncadd.s32 $0xFFFFE000  }
0x161: {  	_ =	swait.ge [sflag:s25], $0x2000  }
0x162: {  	[sflag:s25] =	ssyncset.done $0x0  }
0x163: {  	s14 =	simm.s32 $0xE;
	[sflag:s25] =	ssyncadd.s32 $0xFFFFE000  }
0x164: {  	_ =	swait.ge [sflag:s14], $0x2000  }
0x165: {  	[sflag:s14] =	ssyncset.done $0x0  }
0x166: {  	s18 =	simm.s32 $0xF;
	[sflag:s14] =	ssyncadd.s32 $0xFFFFE000  }
0x167: {  	_ =	swait.ge [sflag:s18], $0x2000  }
0x168: {  	[sflag:s18] =	ssyncset.done $0x0  }
0x169: {  	s14 =	simm.s32 $0x10;
	[sflag:s18] =	ssyncadd.s32 $0xFFFFE000  }
0x16a: {  	_ =	swait.ge [sflag:s14], $0x2000  }
0x16b: {  	s24 =	rddreg [dreg:$0x16]  }
0x16c: {  	s25 =	rddreg [dreg:$0x15];
	s13 =	sadd.s32 $0x1, s24  }
0x16d: {  	p0 =	sne.s32 s13, s25  }
.Ltmp1:
0x16e: {  	_ = 	snop;
	(pc) =	sbr.rel @p0 .LBB2_1-.Ltmp1, $3  }
0x16f: {  	_ =	sdelay $0x1  }
0x170: {  	[sflag:s14] =	ssyncset.done $0x0  }
0x171: {  	[sflag:s14] =	ssyncadd.s32 $0xFFFFE000;
	s24 =	simm.s32 $0x5000;
	s25 =	simm.s32 $0x5800  }
0x172: {  	_ =	sfence.sel $0x180000  }
0x173: {  	[bflag:$0x0] =	sbarrier.arrive $0xFFFF  }
0x174: {  	_ =	strace $0x90000047  }
0x175: {  	s0 =	stileid.u32;
	[bflag:$0x2] =	sbarrier.arrive $0xFFFF  }
0x176: {  	p0 =	sne.s32 s0, $0x0;
	s0 =	rddreg [dreg:$0x3]  }
0x177: {  	s0 =	sadd.s32 @!p0 $0x100000, s0  }
0x178: {  	[sflag:s0] =	ssyncadd.tile.s32 @!p0 $0x1;
	_ =	shalt  }
.Lfunc_end2:
_tile_overlayer_lowered:
.L_overlay_start_2:
0x179: {  	(tag) =	ssettag $0x2  }
0x17a: {  	s0 =	rddreg [dreg:$0x0];
	s2 =	stileid.u32  }
0x17b: {  	s1 =	rddreg [dreg:$0x1];
	p0 =	sne.s32 s2, $0x0  }
0x17c: {  	s3 =	rddreg [dreg:$0x2];
	[bflag:$0x3] =	sbarrier.arrive $0xFFFF;
	s2 =	simm.s32 @!p0 $0x1C11  }
0x17d: {  	[timem:s3], [sflag:s2] =	dma.local @!p0 [hbm:s0], s1  }
0x17e: {  	s0 =	simm.s32 @!p0 $0x11  }
0x17f: {  	_ =	swait.ge @!p0 [sflag:s0], s1  }
0x180: {  	s1 =	ssub.s32 @!p0 $0x0, s1;
	[sflag:s0] =	ssyncset.done @!p0 $0x0  }
0x181: {  	[sflag:s0] =	ssyncadd.s32 @!p0 s1  }
0x182: {  	[bflag:$0x3] =	sbarrier.arrive $0xFFFF  }
0x183: {  	_ =	shalt  }

</sc_bundles>
